<compile_context>
chip_gen: v7x
topology: tpu7x:2x2x1
jax: 0.10.2.dev20260603
libtpu: 0.0.44.dev20260713+nightly
codegen_flags: <defaults>
</compile_context>

<pallas_src>
import functools

import jax
import jax.numpy as jnp
from jax import lax
from jax.experimental import pallas as pl
from jax.experimental.pallas import tpu as pltpu
from jax.experimental.pallas import tpu_sc as plsc

VB = 8192
NI = 31
S_PACK = NI * VB
V4 = 4 * S_PACK
_LAST_BLK = 122


def _transpose_body(r0, r1, r2, r3, o_ref):
    a = jnp.concatenate([r0[...], r1[...], r2[...], r3[...]], axis=0)
    o_ref[...] = jax.lax.dot_general(
        a,
        jnp.eye(128, dtype=jnp.float32),
        (((0,), (0,)), ((), ())),
        preferred_element_type=jnp.float32,
    )


def _relayout(wt):
    def mk(m):
        return pl.BlockSpec(
            (32, VB), lambda i, m=m: (0, jnp.minimum(NI * m + i, _LAST_BLK))
        )

    return pl.pallas_call(
        _transpose_body,
        grid=(NI,),
        in_specs=[mk(0), mk(1), mk(2), mk(3)],
        out_specs=pl.BlockSpec((VB, 128), lambda i: (i, 0)),
        out_shape=jax.ShapeDtypeStruct((S_PACK, 128), jnp.float32),
    )(wt, wt, wt, wt)


NC = 2
NS = 16
NW = NC * NS
B_TOT = 4096 * 200
PER_W = B_TOT // NW
CH = 320
N_CH = PER_W // CH
NBUF = 4
F = 2

_mesh = plsc.VectorSubcoreMesh(
    core_axis_name="c", subcore_axis_name="s", num_cores=NC, num_subcores=NS
)


@functools.partial(
    pl.kernel,
    out_type=jax.ShapeDtypeStruct((B_TOT, 2, 32), jnp.float32),
    mesh=_mesh,
    scratch_types=[
        pltpu.VMEM((PER_W,), jnp.int32),
        pltpu.VMEM((NBUF, 2, CH, 32), jnp.float32),
        [pltpu.SemaphoreType.DMA] * NBUF,
        [pltpu.SemaphoreType.DMA] * NBUF,
    ],
    compiler_params=pltpu.CompilerParams(use_tc_tiling_on_sc=False),
)
def _emb_lookup(x_hbm, w0_hbm, w1_hbm, out_hbm, idx_v, rows, gsems, wsems):
    wid = lax.axis_index("s") * NC + lax.axis_index("c")
    base = wid * PER_W
    pltpu.sync_copy(x_hbm.at[pl.ds(base, PER_W)], idx_v)

    def gather_descs(c, slot):
        idx = idx_v.at[pl.ds(c * CH, CH)]
        return (
            pltpu.make_async_copy(w0_hbm.at[idx], rows.at[slot, 0], gsems[slot]),
            pltpu.make_async_copy(w1_hbm.at[idx], rows.at[slot, 1], gsems[slot]),
        )

    def write_descs(c, slot):
        dst = out_hbm.at[pl.ds(base + c * CH, CH)]
        return (
            pltpu.make_async_copy(rows.at[slot, 0], dst.at[:, 0], wsems[slot]),
            pltpu.make_async_copy(rows.at[slot, 1], dst.at[:, 1], wsems[slot]),
        )

    for c in range(F):
        for d in gather_descs(c, c % NBUF):
            d.start()

    @pl.loop(0, N_CH, step=NBUF)
    def _(j):
        for k in range(NBUF):
            c = j + k

            sf = (k + F) % NBUF

            @pl.when(c + F < N_CH)
            def _():
                @pl.when(c + F >= NBUF)
                def _():
                    for d in write_descs(c, sf):
                        d.wait()

                for d in gather_descs(c + F, sf):
                    d.start()

            for d in gather_descs(c, k):
                d.wait()
            for d in write_descs(c, k):
                d.start()

    for k in range(NBUF):
        for d in write_descs(0, k):
            d.wait()


def kernel(x, W0, W1):
    r0 = _relayout(W0.T).reshape(V4, 32)
    r1 = _relayout(W1.T).reshape(V4, 32)
    xf = x.reshape(-1).astype(jnp.int32)
    m = (
        (xf >= S_PACK).astype(jnp.int32)
        + (xf >= 2 * S_PACK).astype(jnp.int32)
        + (xf >= 3 * S_PACK).astype(jnp.int32)
    )
    xr = 4 * xf - (4 * S_PACK - 1) * m
    out = _emb_lookup(xr, r0, r1)
    return out.reshape(x.shape[0], x.shape[1], 64)

# --- scband reference (transcript-rebuilt; emitter-appended) ---
"""Pipeline reference for scband-partition-embedding-79998060855872 (READ-ONLY COPY).

The authoritative reference and input builder live on the scoring server;
editing this copy changes nothing except your own understanding.
"""

import jax, jax.numpy as jnp
import numpy as np

VOCAB = 1000000
EMB = 64
NPART = 2
PART = EMB // NPART

def setup_inputs(seed: int = 0) -> dict:
    key = jax.random.key(seed)
    k_idx, k_w0, k_w1 = jax.random.split(key, 3)
    x = jax.random.randint(k_idx, (4096, 200), 0, VOCAB, dtype=jnp.int64 if jax.config.jax_enable_x64 else jnp.int32)
    # two partition embedding tables, each [vocab, emb/ n_partitions]
    W0 = jax.random.normal(k_w0, (VOCAB, PART), dtype=jnp.float32) * 0.02
    W1 = jax.random.normal(k_w1, (VOCAB, PART), dtype=jnp.float32) * 0.02
    return {"x": x, "W0": W0, "W1": W1}

def reference(x, W0, W1):
    # PartitionEmbedding: lookup each partition table, concat along last dim
    out0 = jnp.take(W0, x, axis=0)  # [B, L, PART]
    out1 = jnp.take(W1, x, axis=0)  # [B, L, PART]
    out = jnp.concatenate([out0, out1], axis=-1)  # [B, L, EMB]
    return out

if __name__ == "__main__":
    import jax
    _d = setup_inputs()
    print(jax.jit(kernel)(*tuple(_d.values())))

</pallas_src>

<mosaic_0001>
#map = affine_map<(d0, d1) -> (0)>
#map1 = affine_map<(d0, d1) -> (0, 0)>
#map2 = affine_map<(d0, d1) -> (0, 0, 0)>
module attributes {stable_mosaic.version = 14 : i64} {
  func.func @_emb_lookup(%arg0: i32, %arg1: i32, %arg2: memref<819200xi32, #tpu.memory_space<hbm>>, %arg3: memref<1015808x32xf32, #tpu.memory_space<hbm>>, %arg4: memref<1015808x32xf32, #tpu.memory_space<hbm>>, %arg5: memref<819200x2x32xf32, #tpu.memory_space<hbm>>, %arg6: memref<25600xi32, #tpu.memory_space<vmem>>, %arg7: memref<4x2x320x32xf32, #tpu.memory_space<vmem>>, %arg8: memref<!tpu.dma_semaphore, #tpu.memory_space<semaphore_mem>>, %arg9: memref<!tpu.dma_semaphore, #tpu.memory_space<semaphore_mem>>, %arg10: memref<!tpu.dma_semaphore, #tpu.memory_space<semaphore_mem>>, %arg11: memref<!tpu.dma_semaphore, #tpu.memory_space<semaphore_mem>>, %arg12: memref<!tpu.dma_semaphore, #tpu.memory_space<semaphore_mem>>, %arg13: memref<!tpu.dma_semaphore, #tpu.memory_space<semaphore_mem>>, %arg14: memref<!tpu.dma_semaphore, #tpu.memory_space<semaphore_mem>>, %arg15: memref<!tpu.dma_semaphore, #tpu.memory_space<semaphore_mem>>) attributes {dimension_semantics = [#tpu.dimension_semantics<core_parallel>, #tpu.dimension_semantics<subcore_parallel>], iteration_bounds = array<i64: 2, 16>, scalar_prefetch = 0 : i64, scratch_operands = 10 : i64, tpu.core_type = #tpu.core_type<sc_vector_subcore>, window_params = [{transform_indices = #map}, {transform_indices = #map1}, {transform_indices = #map1}, {transform_indices = #map2}]} {
    %mul3A = arith.constant 2 : i32
    %mul3A_0 = arith.muli %arg1, %mul3A : i32
    %add3A = arith.addi %mul3A_0, %arg0 : i32
    %mul3A_1 = arith.constant 25600 : i32
    %mul3A_2 = arith.muli %add3A, %mul3A_1 : i32
    "tpu.region"() ({
      %run_scoped3A = tpu.sem_alloc : memref<!tpu.dma_semaphore, #tpu.memory_space<semaphore_mem>>
      %dma_start3A_257 = tpu.memref_slice %arg2[%mul3A_2] : memref<819200xi32, #tpu.memory_space<hbm>> -> memref<25600xi32, #tpu.memory_space<hbm>>
      %dma_start3A_258 = tpu.memref_slice %arg2[%mul3A_2] : memref<819200xi32, #tpu.memory_space<hbm>> -> memref<25600xi32, #tpu.memory_space<hbm>>
      tpu.enqueue_dma source(%dma_start3A_258 : memref<25600xi32, #tpu.memory_space<hbm>>) target(%arg6 : memref<25600xi32, #tpu.memory_space<vmem>>) target_semaphore(%run_scoped3A : memref<!tpu.dma_semaphore, #tpu.memory_space<semaphore_mem>>)
      %dma_wait3A_259 = tpu.memref_slice %arg2[%mul3A_2] : memref<819200xi32, #tpu.memory_space<hbm>> -> memref<25600xi32, #tpu.memory_space<hbm>>
      %dma_wait3A_260 = tpu.memref_slice %arg2[%mul3A_2] : memref<819200xi32, #tpu.memory_space<hbm>> -> memref<25600xi32, #tpu.memory_space<hbm>>
      tpu.wait_dma2 semaphore(%run_scoped3A : memref<!tpu.dma_semaphore, #tpu.memory_space<semaphore_mem>>) src(%dma_wait3A_260 : memref<25600xi32, #tpu.memory_space<hbm>>) dst(%arg6 : memref<25600xi32, #tpu.memory_space<vmem>>)
      tpu.yield
    }) : () -> ()
    %dma_start3A = arith.constant 0 : i32
    %dma_start3A_3 = arith.constant 0 : i32
    %dma_start3A_4 = arith.constant 0 : i32
    %dma_start3A_5 = arith.constant 0 : i32
    %dma_start3A_6 = tpu.memref_slice %arg7[%dma_start3A, %dma_start3A_3, %dma_start3A_4, %dma_start3A_5] : memref<4x2x320x32xf32, #tpu.memory_space<vmem>> -> memref<1x1x320x32xf32, #tpu.memory_space<vmem>>
    %dma_start3A_7 = tpu.memref_squeeze %dma_start3A_6 : memref<1x1x320x32xf32, #tpu.memory_space<vmem>> -> memref<320x32xf32, #tpu.memory_space<vmem>>
    %dma_start3A_8 = arith.constant 0 : i32
    %dma_start3A_9 = tpu.memref_slice %arg6[%dma_start3A_8] : memref<25600xi32, #tpu.memory_space<vmem>> -> memref<320xi32, #tpu.memory_space<vmem>>
    %dma_start3A_10 = arith.constant 0 : i32
    %dma_start3A_11 = arith.constant 0 : i32
    %dma_start3A_12 = tpu.memref_slice %arg3[%dma_start3A_10, %dma_start3A_11] : memref<1015808x32xf32, #tpu.memory_space<hbm>> -> memref<1015808x32xf32, #tpu.memory_space<hbm>>
    tpu.enqueue_indirect_dma source(%dma_start3A_12 : memref<1015808x32xf32, #tpu.memory_space<hbm>>) target(%dma_start3A_7 : memref<320x32xf32, #tpu.memory_space<vmem>>) offsets(%dma_start3A_9 : memref<320xi32, #tpu.memory_space<vmem>>) semaphore(%arg8 : memref<!tpu.dma_semaphore, #tpu.memory_space<semaphore_mem>>)
    %dma_start3A_13 = arith.constant 0 : i32
    %dma_start3A_14 = arith.constant 1 : i32
    %dma_start3A_15 = arith.constant 0 : i32
    %dma_start3A_16 = arith.constant 0 : i32
    %dma_start3A_17 = tpu.memref_slice %arg7[%dma_start3A_13, %dma_start3A_14, %dma_start3A_15, %dma_start3A_16] : memref<4x2x320x32xf32, #tpu.memory_space<vmem>> -> memref<1x1x320x32xf32, #tpu.memory_space<vmem>>
    %dma_start3A_18 = tpu.memref_squeeze %dma_start3A_17 : memref<1x1x320x32xf32, #tpu.memory_space<vmem>> -> memref<320x32xf32, #tpu.memory_space<vmem>>
    %dma_start3A_19 = arith.constant 0 : i32
    %dma_start3A_20 = tpu.memref_slice %arg6[%dma_start3A_19] : memref<25600xi32, #tpu.memory_space<vmem>> -> memref<320xi32, #tpu.memory_space<vmem>>
    %dma_start3A_21 = arith.constant 0 : i32
    %dma_start3A_22 = arith.constant 0 : i32
    %dma_start3A_23 = tpu.memref_slice %arg4[%dma_start3A_21, %dma_start3A_22] : memref<1015808x32xf32, #tpu.memory_space<hbm>> -> memref<1015808x32xf32, #tpu.memory_space<hbm>>
    tpu.enqueue_indirect_dma source(%dma_start3A_23 : memref<1015808x32xf32, #tpu.memory_space<hbm>>) target(%dma_start3A_18 : memref<320x32xf32, #tpu.memory_space<vmem>>) offsets(%dma_start3A_20 : memref<320xi32, #tpu.memory_space<vmem>>) semaphore(%arg8 : memref<!tpu.dma_semaphore, #tpu.memory_space<semaphore_mem>>)
    %dma_start3A_24 = arith.constant 1 : i32
    %dma_start3A_25 = arith.constant 0 : i32
    %dma_start3A_26 = arith.constant 0 : i32
    %dma_start3A_27 = arith.constant 0 : i32
    %dma_start3A_28 = tpu.memref_slice %arg7[%dma_start3A_24, %dma_start3A_25, %dma_start3A_26, %dma_start3A_27] : memref<4x2x320x32xf32, #tpu.memory_space<vmem>> -> memref<1x1x320x32xf32, #tpu.memory_space<vmem>>
    %dma_start3A_29 = tpu.memref_squeeze %dma_start3A_28 : memref<1x1x320x32xf32, #tpu.memory_space<vmem>> -> memref<320x32xf32, #tpu.memory_space<vmem>>
    %dma_start3A_30 = arith.constant 320 : i32
    %dma_start3A_31 = tpu.memref_slice %arg6[%dma_start3A_30] : memref<25600xi32, #tpu.memory_space<vmem>> -> memref<320xi32, #tpu.memory_space<vmem>>
    %dma_start3A_32 = arith.constant 0 : i32
    %dma_start3A_33 = arith.constant 0 : i32
    %dma_start3A_34 = tpu.memref_slice %arg3[%dma_start3A_32, %dma_start3A_33] : memref<1015808x32xf32, #tpu.memory_space<hbm>> -> memref<1015808x32xf32, #tpu.memory_space<hbm>>
    tpu.enqueue_indirect_dma source(%dma_start3A_34 : memref<1015808x32xf32, #tpu.memory_space<hbm>>) target(%dma_start3A_29 : memref<320x32xf32, #tpu.memory_space<vmem>>) offsets(%dma_start3A_31 : memref<320xi32, #tpu.memory_space<vmem>>) semaphore(%arg9 : memref<!tpu.dma_semaphore, #tpu.memory_space<semaphore_mem>>)
    %dma_start3A_35 = arith.constant 1 : i32
    %dma_start3A_36 = arith.constant 1 : i32
    %dma_start3A_37 = arith.constant 0 : i32
    %dma_start3A_38 = arith.constant 0 : i32
    %dma_start3A_39 = tpu.memref_slice %arg7[%dma_start3A_35, %dma_start3A_36, %dma_start3A_37, %dma_start3A_38] : memref<4x2x320x32xf32, #tpu.memory_space<vmem>> -> memref<1x1x320x32xf32, #tpu.memory_space<vmem>>
    %dma_start3A_40 = tpu.memref_squeeze %dma_start3A_39 : memref<1x1x320x32xf32, #tpu.memory_space<vmem>> -> memref<320x32xf32, #tpu.memory_space<vmem>>
    %dma_start3A_41 = arith.constant 320 : i32
    %dma_start3A_42 = tpu.memref_slice %arg6[%dma_start3A_41] : memref<25600xi32, #tpu.memory_space<vmem>> -> memref<320xi32, #tpu.memory_space<vmem>>
    %dma_start3A_43 = arith.constant 0 : i32
    %dma_start3A_44 = arith.constant 0 : i32
    %dma_start3A_45 = tpu.memref_slice %arg4[%dma_start3A_43, %dma_start3A_44] : memref<1015808x32xf32, #tpu.memory_space<hbm>> -> memref<1015808x32xf32, #tpu.memory_space<hbm>>
    tpu.enqueue_indirect_dma source(%dma_start3A_45 : memref<1015808x32xf32, #tpu.memory_space<hbm>>) target(%dma_start3A_40 : memref<320x32xf32, #tpu.memory_space<vmem>>) offsets(%dma_start3A_42 : memref<320xi32, #tpu.memory_space<vmem>>) semaphore(%arg9 : memref<!tpu.dma_semaphore, #tpu.memory_space<semaphore_mem>>)
    %scan3A = arith.constant 0 : i32
    %scan3A_46 = arith.constant 20 : i32
    %scan3A_47 = arith.addi %scan3A, %scan3A_46 : i32
    %scan3A_48 = arith.constant 1 : i32
    scf.for %scan3A_257 = %scan3A to %scan3A_47 step %scan3A_48  : i32 {
      %mul3A_258 = arith.constant 4 : i32
      %mul3A_259 = arith.muli %scan3A_257, %mul3A_258 : i32
      %add3A_260 = arith.constant 0 : i32
      %add3A_261 = arith.addi %add3A_260, %mul3A_259 : i32
      %add3A_262 = arith.constant 0 : i32
      %add3A_263 = arith.addi %add3A_261, %add3A_262 : i32
      %add3A_264 = arith.constant 2 : i32
      %add3A_265 = arith.addi %add3A_263, %add3A_264 : i32
      %lt3A = arith.constant 80 : i32
      %lt3A_266 = arith.cmpi slt, %add3A_265, %lt3A : i32
      %convert_element_type3A = arith.extui %lt3A_266 : i1 to i32
      %cond3A = arith.constant 0 : i32
      %cond3A_267 = arith.cmpi ne, %convert_element_type3A, %cond3A : i32
      scf.if %cond3A_267 {
        %add3A_595 = arith.constant 2 : i32
        %add3A_596 = arith.addi %add3A_263, %add3A_595 : i32
        %ge3A = arith.constant 4 : i32
        %ge3A_597 = arith.cmpi sge, %add3A_596, %ge3A : i32
        %convert_element_type3A_598 = arith.extui %ge3A_597 : i1 to i32
        %cond3A_599 = arith.constant 0 : i32
        %cond3A_600 = arith.cmpi ne, %convert_element_type3A_598, %cond3A_599 : i32
        scf.if %cond3A_600 {
          %mul3A_625 = arith.constant 320 : i32
          %mul3A_626 = arith.muli %add3A_263, %mul3A_625 : i32
          %add3A_627 = arith.addi %mul3A_2, %mul3A_626 : i32
          %dma_wait3A_628 = arith.constant 2 : i32
          %dma_wait3A_629 = arith.constant 0 : i32
          %dma_wait3A_630 = arith.constant 0 : i32
          %dma_wait3A_631 = arith.constant 0 : i32
          %dma_wait3A_632 = arith.constant 0 : i32
          %dma_wait3A_633 = tpu.memref_slice %arg7[%dma_wait3A_628, %dma_wait3A_629, %dma_wait3A_631, %dma_wait3A_632] : memref<4x2x320x32xf32, #tpu.memory_space<vmem>> -> memref<1x1x320x32xf32, #tpu.memory_space<vmem>>
          %dma_wait3A_634 = tpu.memref_squeeze %dma_wait3A_633 : memref<1x1x320x32xf32, #tpu.memory_space<vmem>> -> memref<320x32xf32, #tpu.memory_space<vmem>>
          %dma_wait3A_635 = arith.constant 0 : i32
          %dma_wait3A_636 = arith.constant 0 : i32
          %dma_wait3A_637 = tpu.memref_slice %arg5[%add3A_627, %dma_wait3A_635, %dma_wait3A_636] : memref<819200x2x32xf32, #tpu.memory_space<hbm>> -> memref<320x2x32xf32, #tpu.memory_space<hbm>>
          %dma_wait3A_638 = arith.constant 0 : i32
          %dma_wait3A_639 = arith.constant 0 : i32
          %dma_wait3A_640 = tpu.memref_slice %dma_wait3A_637[%dma_wait3A_638, %dma_wait3A_630, %dma_wait3A_639] : memref<320x2x32xf32, #tpu.memory_space<hbm>> -> memref<320x1x32xf32, #tpu.memory_space<hbm>>
          %dma_wait3A_641 = tpu.memref_squeeze %dma_wait3A_640 : memref<320x1x32xf32, #tpu.memory_space<hbm>> -> memref<320x32xf32, #tpu.memory_space<hbm>>
          %dma_wait3A_642 = arith.constant 0 : i32
          %dma_wait3A_643 = arith.constant 0 : i32
          %dma_wait3A_644 = tpu.memref_slice %arg5[%add3A_627, %dma_wait3A_642, %dma_wait3A_643] : memref<819200x2x32xf32, #tpu.memory_space<hbm>> -> memref<320x2x32xf32, #tpu.memory_space<hbm>>
          %dma_wait3A_645 = arith.constant 0 : i32
          %dma_wait3A_646 = arith.constant 0 : i32
          %dma_wait3A_647 = tpu.memref_slice %dma_wait3A_644[%dma_wait3A_645, %dma_wait3A_630, %dma_wait3A_646] : memref<320x2x32xf32, #tpu.memory_space<hbm>> -> memref<320x1x32xf32, #tpu.memory_space<hbm>>
          %dma_wait3A_648 = tpu.memref_squeeze %dma_wait3A_647 : memref<320x1x32xf32, #tpu.memory_space<hbm>> -> memref<320x32xf32, #tpu.memory_space<hbm>>
          %dma_wait3A_649 = arith.constant 0 : i32
          %dma_wait3A_650 = arith.constant 0 : i32
          %dma_wait3A_651 = tpu.memref_slice %arg7[%dma_wait3A_628, %dma_wait3A_629, %dma_wait3A_649, %dma_wait3A_650] : memref<4x2x320x32xf32, #tpu.memory_space<vmem>> -> memref<1x1x320x32xf32, #tpu.memory_space<vmem>>
          %dma_wait3A_652 = tpu.memref_squeeze %dma_wait3A_651 : memref<1x1x320x32xf32, #tpu.memory_space<vmem>> -> memref<320x32xf32, #tpu.memory_space<vmem>>
          tpu.wait_dma2 semaphore(%arg14 : memref<!tpu.dma_semaphore, #tpu.memory_space<semaphore_mem>>) src(%dma_wait3A_652 : memref<320x32xf32, #tpu.memory_space<vmem>>) dst(%dma_wait3A_648 : memref<320x32xf32, #tpu.memory_space<hbm>>)
          %dma_wait3A_653 = arith.constant 2 : i32
          %dma_wait3A_654 = arith.constant 1 : i32
          %dma_wait3A_655 = arith.constant 1 : i32
          %dma_wait3A_656 = arith.constant 0 : i32
          %dma_wait3A_657 = arith.constant 0 : i32
          %dma_wait3A_658 = tpu.memref_slice %arg7[%dma_wait3A_653, %dma_wait3A_654, %dma_wait3A_656, %dma_wait3A_657] : memref<4x2x320x32xf32, #tpu.memory_space<vmem>> -> memref<1x1x320x32xf32, #tpu.memory_space<vmem>>
          %dma_wait3A_659 = tpu.memref_squeeze %dma_wait3A_658 : memref<1x1x320x32xf32, #tpu.memory_space<vmem>> -> memref<320x32xf32, #tpu.memory_space<vmem>>
          %dma_wait3A_660 = arith.constant 0 : i32
          %dma_wait3A_661 = arith.constant 0 : i32
          %dma_wait3A_662 = tpu.memref_slice %arg5[%add3A_627, %dma_wait3A_660, %dma_wait3A_661] : memref<819200x2x32xf32, #tpu.memory_space<hbm>> -> memref<320x2x32xf32, #tpu.memory_space<hbm>>
          %dma_wait3A_663 = arith.constant 0 : i32
          %dma_wait3A_664 = arith.constant 0 : i32
          %dma_wait3A_665 = tpu.memref_slice %dma_wait3A_662[%dma_wait3A_663, %dma_wait3A_655, %dma_wait3A_664] : memref<320x2x32xf32, #tpu.memory_space<hbm>> -> memref<320x1x32xf32, #tpu.memory_space<hbm>>
          %dma_wait3A_666 = tpu.memref_squeeze %dma_wait3A_665 : memref<320x1x32xf32, #tpu.memory_space<hbm>> -> memref<320x32xf32, #tpu.memory_space<hbm>>
          %dma_wait3A_667 = arith.constant 0 : i32
          %dma_wait3A_668 = arith.constant 0 : i32
          %dma_wait3A_669 = tpu.memref_slice %arg5[%add3A_627, %dma_wait3A_667, %dma_wait3A_668] : memref<819200x2x32xf32, #tpu.memory_space<hbm>> -> memref<320x2x32xf32, #tpu.memory_space<hbm>>
          %dma_wait3A_670 = arith.constant 0 : i32
          %dma_wait3A_671 = arith.constant 0 : i32
          %dma_wait3A_672 = tpu.memref_slice %dma_wait3A_669[%dma_wait3A_670, %dma_wait3A_655, %dma_wait3A_671] : memref<320x2x32xf32, #tpu.memory_space<hbm>> -> memref<320x1x32xf32, #tpu.memory_space<hbm>>
          %dma_wait3A_673 = tpu.memref_squeeze %dma_wait3A_672 : memref<320x1x32xf32, #tpu.memory_space<hbm>> -> memref<320x32xf32, #tpu.memory_space<hbm>>
          %dma_wait3A_674 = arith.constant 0 : i32
          %dma_wait3A_675 = arith.constant 0 : i32
          %dma_wait3A_676 = tpu.memref_slice %arg7[%dma_wait3A_653, %dma_wait3A_654, %dma_wait3A_674, %dma_wait3A_675] : memref<4x2x320x32xf32, #tpu.memory_space<vmem>> -> memref<1x1x320x32xf32, #tpu.memory_space<vmem>>
          %dma_wait3A_677 = tpu.memref_squeeze %dma_wait3A_676 : memref<1x1x320x32xf32, #tpu.memory_space<vmem>> -> memref<320x32xf32, #tpu.memory_space<vmem>>
          tpu.wait_dma2 semaphore(%arg14 : memref<!tpu.dma_semaphore, #tpu.memory_space<semaphore_mem>>) src(%dma_wait3A_677 : memref<320x32xf32, #tpu.memory_space<vmem>>) dst(%dma_wait3A_673 : memref<320x32xf32, #tpu.memory_space<hbm>>)
        } else {
        }
        %add3A_601 = arith.constant 2 : i32
        %add3A_602 = arith.addi %add3A_263, %add3A_601 : i32
        %mul3A_603 = arith.constant 320 : i32
        %mul3A_604 = arith.muli %add3A_602, %mul3A_603 : i32
        %dma_start3A_605 = arith.constant 2 : i32
        %dma_start3A_606 = arith.constant 0 : i32
        %dma_start3A_607 = arith.constant 0 : i32
        %dma_start3A_608 = arith.constant 0 : i32
        %dma_start3A_609 = tpu.memref_slice %arg7[%dma_start3A_605, %dma_start3A_606, %dma_start3A_607, %dma_start3A_608] : memref<4x2x320x32xf32, #tpu.memory_space<vmem>> -> memref<1x1x320x32xf32, #tpu.memory_space<vmem>>
        %dma_start3A_610 = tpu.memref_squeeze %dma_start3A_609 : memref<1x1x320x32xf32, #tpu.memory_space<vmem>> -> memref<320x32xf32, #tpu.memory_space<vmem>>
        %dma_start3A_611 = tpu.memref_slice %arg6[%mul3A_604] : memref<25600xi32, #tpu.memory_space<vmem>> -> memref<320xi32, #tpu.memory_space<vmem>>
        %dma_start3A_612 = arith.constant 0 : i32
        %dma_start3A_613 = arith.constant 0 : i32
        %dma_start3A_614 = tpu.memref_slice %arg3[%dma_start3A_612, %dma_start3A_613] : memref<1015808x32xf32, #tpu.memory_space<hbm>> -> memref<1015808x32xf32, #tpu.memory_space<hbm>>
        tpu.enqueue_indirect_dma source(%dma_start3A_614 : memref<1015808x32xf32, #tpu.memory_space<hbm>>) target(%dma_start3A_610 : memref<320x32xf32, #tpu.memory_space<vmem>>) offsets(%dma_start3A_611 : memref<320xi32, #tpu.memory_space<vmem>>) semaphore(%arg10 : memref<!tpu.dma_semaphore, #tpu.memory_space<semaphore_mem>>)
        %dma_start3A_615 = arith.constant 2 : i32
        %dma_start3A_616 = arith.constant 1 : i32
        %dma_start3A_617 = arith.constant 0 : i32
        %dma_start3A_618 = arith.constant 0 : i32
        %dma_start3A_619 = tpu.memref_slice %arg7[%dma_start3A_615, %dma_start3A_616, %dma_start3A_617, %dma_start3A_618] : memref<4x2x320x32xf32, #tpu.memory_space<vmem>> -> memref<1x1x320x32xf32, #tpu.memory_space<vmem>>
        %dma_start3A_620 = tpu.memref_squeeze %dma_start3A_619 : memref<1x1x320x32xf32, #tpu.memory_space<vmem>> -> memref<320x32xf32, #tpu.memory_space<vmem>>
        %dma_start3A_621 = tpu.memref_slice %arg6[%mul3A_604] : memref<25600xi32, #tpu.memory_space<vmem>> -> memref<320xi32, #tpu.memory_space<vmem>>
        %dma_start3A_622 = arith.constant 0 : i32
        %dma_start3A_623 = arith.constant 0 : i32
        %dma_start3A_624 = tpu.memref_slice %arg4[%dma_start3A_622, %dma_start3A_623] : memref<1015808x32xf32, #tpu.memory_space<hbm>> -> memref<1015808x32xf32, #tpu.memory_space<hbm>>
        tpu.enqueue_indirect_dma source(%dma_start3A_624 : memref<1015808x32xf32, #tpu.memory_space<hbm>>) target(%dma_start3A_620 : memref<320x32xf32, #tpu.memory_space<vmem>>) offsets(%dma_start3A_621 : memref<320xi32, #tpu.memory_space<vmem>>) semaphore(%arg10 : memref<!tpu.dma_semaphore, #tpu.memory_space<semaphore_mem>>)
      } else {
      }
      %mul3A_268 = arith.constant 320 : i32
      %mul3A_269 = arith.muli %add3A_263, %mul3A_268 : i32
      %dma_wait3A_270 = arith.constant 0 : i32
      %dma_wait3A_271 = arith.constant 0 : i32
      %dma_wait3A_272 = arith.constant 0 : i32
      %dma_wait3A_273 = arith.constant 0 : i32
      %dma_wait3A_274 = tpu.memref_slice %arg7[%dma_wait3A_270, %dma_wait3A_271, %dma_wait3A_272, %dma_wait3A_273] : memref<4x2x320x32xf32, #tpu.memory_space<vmem>> -> memref<1x1x320x32xf32, #tpu.memory_space<vmem>>
      %dma_wait3A_275 = tpu.memref_squeeze %dma_wait3A_274 : memref<1x1x320x32xf32, #tpu.memory_space<vmem>> -> memref<320x32xf32, #tpu.memory_space<vmem>>
      %dma_wait3A_276 = tpu.memref_slice %arg6[%mul3A_269] : memref<25600xi32, #tpu.memory_space<vmem>> -> memref<320xi32, #tpu.memory_space<vmem>>
      %dma_wait3A_277 = arith.constant 0 : i32
      %dma_wait3A_278 = arith.constant 0 : i32
      %dma_wait3A_279 = tpu.memref_slice %arg3[%dma_wait3A_277, %dma_wait3A_278] : memref<1015808x32xf32, #tpu.memory_space<hbm>> -> memref<1015808x32xf32, #tpu.memory_space<hbm>>
      tpu.wait_indirect_dma semaphore(%arg8 : memref<!tpu.dma_semaphore, #tpu.memory_space<semaphore_mem>>) src(%dma_wait3A_279 : memref<1015808x32xf32, #tpu.memory_space<hbm>>) dst(%dma_wait3A_275 : memref<320x32xf32, #tpu.memory_space<vmem>>)
      %dma_wait3A_280 = arith.constant 0 : i32
      %dma_wait3A_281 = arith.constant 1 : i32
      %dma_wait3A_282 = arith.constant 0 : i32
      %dma_wait3A_283 = arith.constant 0 : i32
      %dma_wait3A_284 = tpu.memref_slice %arg7[%dma_wait3A_280, %dma_wait3A_281, %dma_wait3A_282, %dma_wait3A_283] : memref<4x2x320x32xf32, #tpu.memory_space<vmem>> -> memref<1x1x320x32xf32, #tpu.memory_space<vmem>>
      %dma_wait3A_285 = tpu.memref_squeeze %dma_wait3A_284 : memref<1x1x320x32xf32, #tpu.memory_space<vmem>> -> memref<320x32xf32, #tpu.memory_space<vmem>>
      %dma_wait3A_286 = tpu.memref_slice %arg6[%mul3A_269] : memref<25600xi32, #tpu.memory_space<vmem>> -> memref<320xi32, #tpu.memory_space<vmem>>
      %dma_wait3A_287 = arith.constant 0 : i32
      %dma_wait3A_288 = arith.constant 0 : i32
      %dma_wait3A_289 = tpu.memref_slice %arg4[%dma_wait3A_287, %dma_wait3A_288] : memref<1015808x32xf32, #tpu.memory_space<hbm>> -> memref<1015808x32xf32, #tpu.memory_space<hbm>>
      tpu.wait_indirect_dma semaphore(%arg8 : memref<!tpu.dma_semaphore, #tpu.memory_space<semaphore_mem>>) src(%dma_wait3A_289 : memref<1015808x32xf32, #tpu.memory_space<hbm>>) dst(%dma_wait3A_285 : memref<320x32xf32, #tpu.memory_space<vmem>>)
      %mul3A_290 = arith.constant 320 : i32
      %mul3A_291 = arith.muli %add3A_263, %mul3A_290 : i32
      %add3A_292 = arith.addi %mul3A_2, %mul3A_291 : i32
      %dma_start3A_293 = arith.constant 0 : i32
      %dma_start3A_294 = arith.constant 0 : i32
      %dma_start3A_295 = arith.constant 0 : i32
      %dma_start3A_296 = arith.constant 0 : i32
      %dma_start3A_297 = arith.constant 0 : i32
      %dma_start3A_298 = tpu.memref_slice %arg7[%dma_start3A_293, %dma_start3A_294, %dma_start3A_296, %dma_start3A_297] : memref<4x2x320x32xf32, #tpu.memory_space<vmem>> -> memref<1x1x320x32xf32, #tpu.memory_space<vmem>>
      %dma_start3A_299 = tpu.memref_squeeze %dma_start3A_298 : memref<1x1x320x32xf32, #tpu.memory_space<vmem>> -> memref<320x32xf32, #tpu.memory_space<vmem>>
      %dma_start3A_300 = arith.constant 0 : i32
      %dma_start3A_301 = arith.constant 0 : i32
      %dma_start3A_302 = tpu.memref_slice %arg5[%add3A_292, %dma_start3A_300, %dma_start3A_301] : memref<819200x2x32xf32, #tpu.memory_space<hbm>> -> memref<320x2x32xf32, #tpu.memory_space<hbm>>
      %dma_start3A_303 = arith.constant 0 : i32
      %dma_start3A_304 = arith.constant 0 : i32
      %dma_start3A_305 = tpu.memref_slice %dma_start3A_302[%dma_start3A_303, %dma_start3A_295, %dma_start3A_304] : memref<320x2x32xf32, #tpu.memory_space<hbm>> -> memref<320x1x32xf32, #tpu.memory_space<hbm>>
      %dma_start3A_306 = tpu.memref_squeeze %dma_start3A_305 : memref<320x1x32xf32, #tpu.memory_space<hbm>> -> memref<320x32xf32, #tpu.memory_space<hbm>>
      %dma_start3A_307 = arith.constant 0 : i32
      %dma_start3A_308 = arith.constant 0 : i32
      %dma_start3A_309 = tpu.memref_slice %arg5[%add3A_292, %dma_start3A_307, %dma_start3A_308] : memref<819200x2x32xf32, #tpu.memory_space<hbm>> -> memref<320x2x32xf32, #tpu.memory_space<hbm>>
      %dma_start3A_310 = arith.constant 0 : i32
      %dma_start3A_311 = arith.constant 0 : i32
      %dma_start3A_312 = tpu.memref_slice %dma_start3A_309[%dma_start3A_310, %dma_start3A_295, %dma_start3A_311] : memref<320x2x32xf32, #tpu.memory_space<hbm>> -> memref<320x1x32xf32, #tpu.memory_space<hbm>>
      %dma_start3A_313 = tpu.memref_squeeze %dma_start3A_312 : memref<320x1x32xf32, #tpu.memory_space<hbm>> -> memref<320x32xf32, #tpu.memory_space<hbm>>
      %dma_start3A_314 = arith.constant 0 : i32
      %dma_start3A_315 = arith.constant 0 : i32
      %dma_start3A_316 = tpu.memref_slice %arg7[%dma_start3A_293, %dma_start3A_294, %dma_start3A_314, %dma_start3A_315] : memref<4x2x320x32xf32, #tpu.memory_space<vmem>> -> memref<1x1x320x32xf32, #tpu.memory_space<vmem>>
      %dma_start3A_317 = tpu.memref_squeeze %dma_start3A_316 : memref<1x1x320x32xf32, #tpu.memory_space<vmem>> -> memref<320x32xf32, #tpu.memory_space<vmem>>
      tpu.enqueue_dma source(%dma_start3A_317 : memref<320x32xf32, #tpu.memory_space<vmem>>) target(%dma_start3A_313 : memref<320x32xf32, #tpu.memory_space<hbm>>) target_semaphore(%arg12 : memref<!tpu.dma_semaphore, #tpu.memory_space<semaphore_mem>>)
      %dma_start3A_318 = arith.constant 0 : i32
      %dma_start3A_319 = arith.constant 1 : i32
      %dma_start3A_320 = arith.constant 1 : i32
      %dma_start3A_321 = arith.constant 0 : i32
      %dma_start3A_322 = arith.constant 0 : i32
      %dma_start3A_323 = tpu.memref_slice %arg7[%dma_start3A_318, %dma_start3A_319, %dma_start3A_321, %dma_start3A_322] : memref<4x2x320x32xf32, #tpu.memory_space<vmem>> -> memref<1x1x320x32xf32, #tpu.memory_space<vmem>>
      %dma_start3A_324 = tpu.memref_squeeze %dma_start3A_323 : memref<1x1x320x32xf32, #tpu.memory_space<vmem>> -> memref<320x32xf32, #tpu.memory_space<vmem>>
      %dma_start3A_325 = arith.constant 0 : i32
      %dma_start3A_326 = arith.constant 0 : i32
      %dma_start3A_327 = tpu.memref_slice %arg5[%add3A_292, %dma_start3A_325, %dma_start3A_326] : memref<819200x2x32xf32, #tpu.memory_space<hbm>> -> memref<320x2x32xf32, #tpu.memory_space<hbm>>
      %dma_start3A_328 = arith.constant 0 : i32
      %dma_start3A_329 = arith.constant 0 : i32
      %dma_start3A_330 = tpu.memref_slice %dma_start3A_327[%dma_start3A_328, %dma_start3A_320, %dma_start3A_329] : memref<320x2x32xf32, #tpu.memory_space<hbm>> -> memref<320x1x32xf32, #tpu.memory_space<hbm>>
      %dma_start3A_331 = tpu.memref_squeeze %dma_start3A_330 : memref<320x1x32xf32, #tpu.memory_space<hbm>> -> memref<320x32xf32, #tpu.memory_space<hbm>>
      %dma_start3A_332 = arith.constant 0 : i32
      %dma_start3A_333 = arith.constant 0 : i32
      %dma_start3A_334 = tpu.memref_slice %arg5[%add3A_292, %dma_start3A_332, %dma_start3A_333] : memref<819200x2x32xf32, #tpu.memory_space<hbm>> -> memref<320x2x32xf32, #tpu.memory_space<hbm>>
      %dma_start3A_335 = arith.constant 0 : i32
      %dma_start3A_336 = arith.constant 0 : i32
      %dma_start3A_337 = tpu.memref_slice %dma_start3A_334[%dma_start3A_335, %dma_start3A_320, %dma_start3A_336] : memref<320x2x32xf32, #tpu.memory_space<hbm>> -> memref<320x1x32xf32, #tpu.memory_space<hbm>>
      %dma_start3A_338 = tpu.memref_squeeze %dma_start3A_337 : memref<320x1x32xf32, #tpu.memory_space<hbm>> -> memref<320x32xf32, #tpu.memory_space<hbm>>
      %dma_start3A_339 = arith.constant 0 : i32
      %dma_start3A_340 = arith.constant 0 : i32
      %dma_start3A_341 = tpu.memref_slice %arg7[%dma_start3A_318, %dma_start3A_319, %dma_start3A_339, %dma_start3A_340] : memref<4x2x320x32xf32, #tpu.memory_space<vmem>> -> memref<1x1x320x32xf32, #tpu.memory_space<vmem>>
      %dma_start3A_342 = tpu.memref_squeeze %dma_start3A_341 : memref<1x1x320x32xf32, #tpu.memory_space<vmem>> -> memref<320x32xf32, #tpu.memory_space<vmem>>
      tpu.enqueue_dma source(%dma_start3A_342 : memref<320x32xf32, #tpu.memory_space<vmem>>) target(%dma_start3A_338 : memref<320x32xf32, #tpu.memory_space<hbm>>) target_semaphore(%arg12 : memref<!tpu.dma_semaphore, #tpu.memory_space<semaphore_mem>>)
      %add3A_343 = arith.constant 1 : i32
      %add3A_344 = arith.addi %add3A_261, %add3A_343 : i32
      %add3A_345 = arith.constant 2 : i32
      %add3A_346 = arith.addi %add3A_344, %add3A_345 : i32
      %lt3A_347 = arith.constant 80 : i32
      %lt3A_348 = arith.cmpi slt, %add3A_346, %lt3A_347 : i32
      %convert_element_type3A_349 = arith.extui %lt3A_348 : i1 to i32
      %cond3A_350 = arith.constant 0 : i32
      %cond3A_351 = arith.cmpi ne, %convert_element_type3A_349, %cond3A_350 : i32
      scf.if %cond3A_351 {
        %add3A_595 = arith.constant 2 : i32
        %add3A_596 = arith.addi %add3A_344, %add3A_595 : i32
        %ge3A = arith.constant 4 : i32
        %ge3A_597 = arith.cmpi sge, %add3A_596, %ge3A : i32
        %convert_element_type3A_598 = arith.extui %ge3A_597 : i1 to i32
        %cond3A_599 = arith.constant 0 : i32
        %cond3A_600 = arith.cmpi ne, %convert_element_type3A_598, %cond3A_599 : i32
        scf.if %cond3A_600 {
          %mul3A_625 = arith.constant 320 : i32
          %mul3A_626 = arith.muli %add3A_344, %mul3A_625 : i32
          %add3A_627 = arith.addi %mul3A_2, %mul3A_626 : i32
          %dma_wait3A_628 = arith.constant 3 : i32
          %dma_wait3A_629 = arith.constant 0 : i32
          %dma_wait3A_630 = arith.constant 0 : i32
          %dma_wait3A_631 = arith.constant 0 : i32
          %dma_wait3A_632 = arith.constant 0 : i32
          %dma_wait3A_633 = tpu.memref_slice %arg7[%dma_wait3A_628, %dma_wait3A_629, %dma_wait3A_631, %dma_wait3A_632] : memref<4x2x320x32xf32, #tpu.memory_space<vmem>> -> memref<1x1x320x32xf32, #tpu.memory_space<vmem>>
          %dma_wait3A_634 = tpu.memref_squeeze %dma_wait3A_633 : memref<1x1x320x32xf32, #tpu.memory_space<vmem>> -> memref<320x32xf32, #tpu.memory_space<vmem>>
          %dma_wait3A_635 = arith.constant 0 : i32
          %dma_wait3A_636 = arith.constant 0 : i32
          %dma_wait3A_637 = tpu.memref_slice %arg5[%add3A_627, %dma_wait3A_635, %dma_wait3A_636] : memref<819200x2x32xf32, #tpu.memory_space<hbm>> -> memref<320x2x32xf32, #tpu.memory_space<hbm>>
          %dma_wait3A_638 = arith.constant 0 : i32
          %dma_wait3A_639 = arith.constant 0 : i32
          %dma_wait3A_640 = tpu.memref_slice %dma_wait3A_637[%dma_wait3A_638, %dma_wait3A_630, %dma_wait3A_639] : memref<320x2x32xf32, #tpu.memory_space<hbm>> -> memref<320x1x32xf32, #tpu.memory_space<hbm>>
          %dma_wait3A_641 = tpu.memref_squeeze %dma_wait3A_640 : memref<320x1x32xf32, #tpu.memory_space<hbm>> -> memref<320x32xf32, #tpu.memory_space<hbm>>
          %dma_wait3A_642 = arith.constant 0 : i32
          %dma_wait3A_643 = arith.constant 0 : i32
          %dma_wait3A_644 = tpu.memref_slice %arg5[%add3A_627, %dma_wait3A_642, %dma_wait3A_643] : memref<819200x2x32xf32, #tpu.memory_space<hbm>> -> memref<320x2x32xf32, #tpu.memory_space<hbm>>
          %dma_wait3A_645 = arith.constant 0 : i32
          %dma_wait3A_646 = arith.constant 0 : i32
          %dma_wait3A_647 = tpu.memref_slice %dma_wait3A_644[%dma_wait3A_645, %dma_wait3A_630, %dma_wait3A_646] : memref<320x2x32xf32, #tpu.memory_space<hbm>> -> memref<320x1x32xf32, #tpu.memory_space<hbm>>
          %dma_wait3A_648 = tpu.memref_squeeze %dma_wait3A_647 : memref<320x1x32xf32, #tpu.memory_space<hbm>> -> memref<320x32xf32, #tpu.memory_space<hbm>>
          %dma_wait3A_649 = arith.constant 0 : i32
          %dma_wait3A_650 = arith.constant 0 : i32
          %dma_wait3A_651 = tpu.memref_slice %arg7[%dma_wait3A_628, %dma_wait3A_629, %dma_wait3A_649, %dma_wait3A_650] : memref<4x2x320x32xf32, #tpu.memory_space<vmem>> -> memref<1x1x320x32xf32, #tpu.memory_space<vmem>>
          %dma_wait3A_652 = tpu.memref_squeeze %dma_wait3A_651 : memref<1x1x320x32xf32, #tpu.memory_space<vmem>> -> memref<320x32xf32, #tpu.memory_space<vmem>>
          tpu.wait_dma2 semaphore(%arg15 : memref<!tpu.dma_semaphore, #tpu.memory_space<semaphore_mem>>) src(%dma_wait3A_652 : memref<320x32xf32, #tpu.memory_space<vmem>>) dst(%dma_wait3A_648 : memref<320x32xf32, #tpu.memory_space<hbm>>)
          %dma_wait3A_653 = arith.constant 3 : i32
          %dma_wait3A_654 = arith.constant 1 : i32
          %dma_wait3A_655 = arith.constant 1 : i32
          %dma_wait3A_656 = arith.constant 0 : i32
          %dma_wait3A_657 = arith.constant 0 : i32
          %dma_wait3A_658 = tpu.memref_slice %arg7[%dma_wait3A_653, %dma_wait3A_654, %dma_wait3A_656, %dma_wait3A_657] : memref<4x2x320x32xf32, #tpu.memory_space<vmem>> -> memref<1x1x320x32xf32, #tpu.memory_space<vmem>>
          %dma_wait3A_659 = tpu.memref_squeeze %dma_wait3A_658 : memref<1x1x320x32xf32, #tpu.memory_space<vmem>> -> memref<320x32xf32, #tpu.memory_space<vmem>>
          %dma_wait3A_660 = arith.constant 0 : i32
          %dma_wait3A_661 = arith.constant 0 : i32
          %dma_wait3A_662 = tpu.memref_slice %arg5[%add3A_627, %dma_wait3A_660, %dma_wait3A_661] : memref<819200x2x32xf32, #tpu.memory_space<hbm>> -> memref<320x2x32xf32, #tpu.memory_space<hbm>>
          %dma_wait3A_663 = arith.constant 0 : i32
          %dma_wait3A_664 = arith.constant 0 : i32
          %dma_wait3A_665 = tpu.memref_slice %dma_wait3A_662[%dma_wait3A_663, %dma_wait3A_655, %dma_wait3A_664] : memref<320x2x32xf32, #tpu.memory_space<hbm>> -> memref<320x1x32xf32, #tpu.memory_space<hbm>>
          %dma_wait3A_666 = tpu.memref_squeeze %dma_wait3A_665 : memref<320x1x32xf32, #tpu.memory_space<hbm>> -> memref<320x32xf32, #tpu.memory_space<hbm>>
          %dma_wait3A_667 = arith.constant 0 : i32
          %dma_wait3A_668 = arith.constant 0 : i32
          %dma_wait3A_669 = tpu.memref_slice %arg5[%add3A_627, %dma_wait3A_667, %dma_wait3A_668] : memref<819200x2x32xf32, #tpu.memory_space<hbm>> -> memref<320x2x32xf32, #tpu.memory_space<hbm>>
          %dma_wait3A_670 = arith.constant 0 : i32
          %dma_wait3A_671 = arith.constant 0 : i32
          %dma_wait3A_672 = tpu.memref_slice %dma_wait3A_669[%dma_wait3A_670, %dma_wait3A_655, %dma_wait3A_671] : memref<320x2x32xf32, #tpu.memory_space<hbm>> -> memref<320x1x32xf32, #tpu.memory_space<hbm>>
          %dma_wait3A_673 = tpu.memref_squeeze %dma_wait3A_672 : memref<320x1x32xf32, #tpu.memory_space<hbm>> -> memref<320x32xf32, #tpu.memory_space<hbm>>
          %dma_wait3A_674 = arith.constant 0 : i32
          %dma_wait3A_675 = arith.constant 0 : i32
          %dma_wait3A_676 = tpu.memref_slice %arg7[%dma_wait3A_653, %dma_wait3A_654, %dma_wait3A_674, %dma_wait3A_675] : memref<4x2x320x32xf32, #tpu.memory_space<vmem>> -> memref<1x1x320x32xf32, #tpu.memory_space<vmem>>
          %dma_wait3A_677 = tpu.memref_squeeze %dma_wait3A_676 : memref<1x1x320x32xf32, #tpu.memory_space<vmem>> -> memref<320x32xf32, #tpu.memory_space<vmem>>
          tpu.wait_dma2 semaphore(%arg15 : memref<!tpu.dma_semaphore, #tpu.memory_space<semaphore_mem>>) src(%dma_wait3A_677 : memref<320x32xf32, #tpu.memory_space<vmem>>) dst(%dma_wait3A_673 : memref<320x32xf32, #tpu.memory_space<hbm>>)
        } else {
        }
        %add3A_601 = arith.constant 2 : i32
        %add3A_602 = arith.addi %add3A_344, %add3A_601 : i32
        %mul3A_603 = arith.constant 320 : i32
        %mul3A_604 = arith.muli %add3A_602, %mul3A_603 : i32
        %dma_start3A_605 = arith.constant 3 : i32
        %dma_start3A_606 = arith.constant 0 : i32
        %dma_start3A_607 = arith.constant 0 : i32
        %dma_start3A_608 = arith.constant 0 : i32
        %dma_start3A_609 = tpu.memref_slice %arg7[%dma_start3A_605, %dma_start3A_606, %dma_start3A_607, %dma_start3A_608] : memref<4x2x320x32xf32, #tpu.memory_space<vmem>> -> memref<1x1x320x32xf32, #tpu.memory_space<vmem>>
        %dma_start3A_610 = tpu.memref_squeeze %dma_start3A_609 : memref<1x1x320x32xf32, #tpu.memory_space<vmem>> -> memref<320x32xf32, #tpu.memory_space<vmem>>
        %dma_start3A_611 = tpu.memref_slice %arg6[%mul3A_604] : memref<25600xi32, #tpu.memory_space<vmem>> -> memref<320xi32, #tpu.memory_space<vmem>>
        %dma_start3A_612 = arith.constant 0 : i32
        %dma_start3A_613 = arith.constant 0 : i32
        %dma_start3A_614 = tpu.memref_slice %arg3[%dma_start3A_612, %dma_start3A_613] : memref<1015808x32xf32, #tpu.memory_space<hbm>> -> memref<1015808x32xf32, #tpu.memory_space<hbm>>
        tpu.enqueue_indirect_dma source(%dma_start3A_614 : memref<1015808x32xf32, #tpu.memory_space<hbm>>) target(%dma_start3A_610 : memref<320x32xf32, #tpu.memory_space<vmem>>) offsets(%dma_start3A_611 : memref<320xi32, #tpu.memory_space<vmem>>) semaphore(%arg11 : memref<!tpu.dma_semaphore, #tpu.memory_space<semaphore_mem>>)
        %dma_start3A_615 = arith.constant 3 : i32
        %dma_start3A_616 = arith.constant 1 : i32
        %dma_start3A_617 = arith.constant 0 : i32
        %dma_start3A_618 = arith.constant 0 : i32
        %dma_start3A_619 = tpu.memref_slice %arg7[%dma_start3A_615, %dma_start3A_616, %dma_start3A_617, %dma_start3A_618] : memref<4x2x320x32xf32, #tpu.memory_space<vmem>> -> memref<1x1x320x32xf32, #tpu.memory_space<vmem>>
        %dma_start3A_620 = tpu.memref_squeeze %dma_start3A_619 : memref<1x1x320x32xf32, #tpu.memory_space<vmem>> -> memref<320x32xf32, #tpu.memory_space<vmem>>
        %dma_start3A_621 = tpu.memref_slice %arg6[%mul3A_604] : memref<25600xi32, #tpu.memory_space<vmem>> -> memref<320xi32, #tpu.memory_space<vmem>>
        %dma_start3A_622 = arith.constant 0 : i32
        %dma_start3A_623 = arith.constant 0 : i32
        %dma_start3A_624 = tpu.memref_slice %arg4[%dma_start3A_622, %dma_start3A_623] : memref<1015808x32xf32, #tpu.memory_space<hbm>> -> memref<1015808x32xf32, #tpu.memory_space<hbm>>
        tpu.enqueue_indirect_dma source(%dma_start3A_624 : memref<1015808x32xf32, #tpu.memory_space<hbm>>) target(%dma_start3A_620 : memref<320x32xf32, #tpu.memory_space<vmem>>) offsets(%dma_start3A_621 : memref<320xi32, #tpu.memory_space<vmem>>) semaphore(%arg11 : memref<!tpu.dma_semaphore, #tpu.memory_space<semaphore_mem>>)
      } else {
      }
      %mul3A_352 = arith.constant 320 : i32
      %mul3A_353 = arith.muli %add3A_344, %mul3A_352 : i32
      %dma_wait3A_354 = arith.constant 1 : i32
      %dma_wait3A_355 = arith.constant 0 : i32
      %dma_wait3A_356 = arith.constant 0 : i32
      %dma_wait3A_357 = arith.constant 0 : i32
      %dma_wait3A_358 = tpu.memref_slice %arg7[%dma_wait3A_354, %dma_wait3A_355, %dma_wait3A_356, %dma_wait3A_357] : memref<4x2x320x32xf32, #tpu.memory_space<vmem>> -> memref<1x1x320x32xf32, #tpu.memory_space<vmem>>
      %dma_wait3A_359 = tpu.memref_squeeze %dma_wait3A_358 : memref<1x1x320x32xf32, #tpu.memory_space<vmem>> -> memref<320x32xf32, #tpu.memory_space<vmem>>
      %dma_wait3A_360 = tpu.memref_slice %arg6[%mul3A_353] : memref<25600xi32, #tpu.memory_space<vmem>> -> memref<320xi32, #tpu.memory_space<vmem>>
      %dma_wait3A_361 = arith.constant 0 : i32
      %dma_wait3A_362 = arith.constant 0 : i32
      %dma_wait3A_363 = tpu.memref_slice %arg3[%dma_wait3A_361, %dma_wait3A_362] : memref<1015808x32xf32, #tpu.memory_space<hbm>> -> memref<1015808x32xf32, #tpu.memory_space<hbm>>
      tpu.wait_indirect_dma semaphore(%arg9 : memref<!tpu.dma_semaphore, #tpu.memory_space<semaphore_mem>>) src(%dma_wait3A_363 : memref<1015808x32xf32, #tpu.memory_space<hbm>>) dst(%dma_wait3A_359 : memref<320x32xf32, #tpu.memory_space<vmem>>)
      %dma_wait3A_364 = arith.constant 1 : i32
      %dma_wait3A_365 = arith.constant 1 : i32
      %dma_wait3A_366 = arith.constant 0 : i32
      %dma_wait3A_367 = arith.constant 0 : i32
      %dma_wait3A_368 = tpu.memref_slice %arg7[%dma_wait3A_364, %dma_wait3A_365, %dma_wait3A_366, %dma_wait3A_367] : memref<4x2x320x32xf32, #tpu.memory_space<vmem>> -> memref<1x1x320x32xf32, #tpu.memory_space<vmem>>
      %dma_wait3A_369 = tpu.memref_squeeze %dma_wait3A_368 : memref<1x1x320x32xf32, #tpu.memory_space<vmem>> -> memref<320x32xf32, #tpu.memory_space<vmem>>
      %dma_wait3A_370 = tpu.memref_slice %arg6[%mul3A_353] : memref<25600xi32, #tpu.memory_space<vmem>> -> memref<320xi32, #tpu.memory_space<vmem>>
      %dma_wait3A_371 = arith.constant 0 : i32
      %dma_wait3A_372 = arith.constant 0 : i32
      %dma_wait3A_373 = tpu.memref_slice %arg4[%dma_wait3A_371, %dma_wait3A_372] : memref<1015808x32xf32, #tpu.memory_space<hbm>> -> memref<1015808x32xf32, #tpu.memory_space<hbm>>
      tpu.wait_indirect_dma semaphore(%arg9 : memref<!tpu.dma_semaphore, #tpu.memory_space<semaphore_mem>>) src(%dma_wait3A_373 : memref<1015808x32xf32, #tpu.memory_space<hbm>>) dst(%dma_wait3A_369 : memref<320x32xf32, #tpu.memory_space<vmem>>)
      %mul3A_374 = arith.constant 320 : i32
      %mul3A_375 = arith.muli %add3A_344, %mul3A_374 : i32
      %add3A_376 = arith.addi %mul3A_2, %mul3A_375 : i32
      %dma_start3A_377 = arith.constant 1 : i32
      %dma_start3A_378 = arith.constant 0 : i32
      %dma_start3A_379 = arith.constant 0 : i32
      %dma_start3A_380 = arith.constant 0 : i32
      %dma_start3A_381 = arith.constant 0 : i32
      %dma_start3A_382 = tpu.memref_slice %arg7[%dma_start3A_377, %dma_start3A_378, %dma_start3A_380, %dma_start3A_381] : memref<4x2x320x32xf32, #tpu.memory_space<vmem>> -> memref<1x1x320x32xf32, #tpu.memory_space<vmem>>
      %dma_start3A_383 = tpu.memref_squeeze %dma_start3A_382 : memref<1x1x320x32xf32, #tpu.memory_space<vmem>> -> memref<320x32xf32, #tpu.memory_space<vmem>>
      %dma_start3A_384 = arith.constant 0 : i32
      %dma_start3A_385 = arith.constant 0 : i32
      %dma_start3A_386 = tpu.memref_slice %arg5[%add3A_376, %dma_start3A_384, %dma_start3A_385] : memref<819200x2x32xf32, #tpu.memory_space<hbm>> -> memref<320x2x32xf32, #tpu.memory_space<hbm>>
      %dma_start3A_387 = arith.constant 0 : i32
      %dma_start3A_388 = arith.constant 0 : i32
      %dma_start3A_389 = tpu.memref_slice %dma_start3A_386[%dma_start3A_387, %dma_start3A_379, %dma_start3A_388] : memref<320x2x32xf32, #tpu.memory_space<hbm>> -> memref<320x1x32xf32, #tpu.memory_space<hbm>>
      %dma_start3A_390 = tpu.memref_squeeze %dma_start3A_389 : memref<320x1x32xf32, #tpu.memory_space<hbm>> -> memref<320x32xf32, #tpu.memory_space<hbm>>
      %dma_start3A_391 = arith.constant 0 : i32
      %dma_start3A_392 = arith.constant 0 : i32
      %dma_start3A_393 = tpu.memref_slice %arg5[%add3A_376, %dma_start3A_391, %dma_start3A_392] : memref<819200x2x32xf32, #tpu.memory_space<hbm>> -> memref<320x2x32xf32, #tpu.memory_space<hbm>>
      %dma_start3A_394 = arith.constant 0 : i32
      %dma_start3A_395 = arith.constant 0 : i32
      %dma_start3A_396 = tpu.memref_slice %dma_start3A_393[%dma_start3A_394, %dma_start3A_379, %dma_start3A_395] : memref<320x2x32xf32, #tpu.memory_space<hbm>> -> memref<320x1x32xf32, #tpu.memory_space<hbm>>
      %dma_start3A_397 = tpu.memref_squeeze %dma_start3A_396 : memref<320x1x32xf32, #tpu.memory_space<hbm>> -> memref<320x32xf32, #tpu.memory_space<hbm>>
      %dma_start3A_398 = arith.constant 0 : i32
      %dma_start3A_399 = arith.constant 0 : i32
      %dma_start3A_400 = tpu.memref_slice %arg7[%dma_start3A_377, %dma_start3A_378, %dma_start3A_398, %dma_start3A_399] : memref<4x2x320x32xf32, #tpu.memory_space<vmem>> -> memref<1x1x320x32xf32, #tpu.memory_space<vmem>>
      %dma_start3A_401 = tpu.memref_squeeze %dma_start3A_400 : memref<1x1x320x32xf32, #tpu.memory_space<vmem>> -> memref<320x32xf32, #tpu.memory_space<vmem>>
      tpu.enqueue_dma source(%dma_start3A_401 : memref<320x32xf32, #tpu.memory_space<vmem>>) target(%dma_start3A_397 : memref<320x32xf32, #tpu.memory_space<hbm>>) target_semaphore(%arg13 : memref<!tpu.dma_semaphore, #tpu.memory_space<semaphore_mem>>)
      %dma_start3A_402 = arith.constant 1 : i32
      %dma_start3A_403 = arith.constant 1 : i32
      %dma_start3A_404 = arith.constant 1 : i32
      %dma_start3A_405 = arith.constant 0 : i32
      %dma_start3A_406 = arith.constant 0 : i32
      %dma_start3A_407 = tpu.memref_slice %arg7[%dma_start3A_402, %dma_start3A_403, %dma_start3A_405, %dma_start3A_406] : memref<4x2x320x32xf32, #tpu.memory_space<vmem>> -> memref<1x1x320x32xf32, #tpu.memory_space<vmem>>
      %dma_start3A_408 = tpu.memref_squeeze %dma_start3A_407 : memref<1x1x320x32xf32, #tpu.memory_space<vmem>> -> memref<320x32xf32, #tpu.memory_space<vmem>>
      %dma_start3A_409 = arith.constant 0 : i32
      %dma_start3A_410 = arith.constant 0 : i32
      %dma_start3A_411 = tpu.memref_slice %arg5[%add3A_376, %dma_start3A_409, %dma_start3A_410] : memref<819200x2x32xf32, #tpu.memory_space<hbm>> -> memref<320x2x32xf32, #tpu.memory_space<hbm>>
      %dma_start3A_412 = arith.constant 0 : i32
      %dma_start3A_413 = arith.constant 0 : i32
      %dma_start3A_414 = tpu.memref_slice %dma_start3A_411[%dma_start3A_412, %dma_start3A_404, %dma_start3A_413] : memref<320x2x32xf32, #tpu.memory_space<hbm>> -> memref<320x1x32xf32, #tpu.memory_space<hbm>>
      %dma_start3A_415 = tpu.memref_squeeze %dma_start3A_414 : memref<320x1x32xf32, #tpu.memory_space<hbm>> -> memref<320x32xf32, #tpu.memory_space<hbm>>
      %dma_start3A_416 = arith.constant 0 : i32
      %dma_start3A_417 = arith.constant 0 : i32
      %dma_start3A_418 = tpu.memref_slice %arg5[%add3A_376, %dma_start3A_416, %dma_start3A_417] : memref<819200x2x32xf32, #tpu.memory_space<hbm>> -> memref<320x2x32xf32, #tpu.memory_space<hbm>>
      %dma_start3A_419 = arith.constant 0 : i32
      %dma_start3A_420 = arith.constant 0 : i32
      %dma_start3A_421 = tpu.memref_slice %dma_start3A_418[%dma_start3A_419, %dma_start3A_404, %dma_start3A_420] : memref<320x2x32xf32, #tpu.memory_space<hbm>> -> memref<320x1x32xf32, #tpu.memory_space<hbm>>
      %dma_start3A_422 = tpu.memref_squeeze %dma_start3A_421 : memref<320x1x32xf32, #tpu.memory_space<hbm>> -> memref<320x32xf32, #tpu.memory_space<hbm>>
      %dma_start3A_423 = arith.constant 0 : i32
      %dma_start3A_424 = arith.constant 0 : i32
      %dma_start3A_425 = tpu.memref_slice %arg7[%dma_start3A_402, %dma_start3A_403, %dma_start3A_423, %dma_start3A_424] : memref<4x2x320x32xf32, #tpu.memory_space<vmem>> -> memref<1x1x320x32xf32, #tpu.memory_space<vmem>>
      %dma_start3A_426 = tpu.memref_squeeze %dma_start3A_425 : memref<1x1x320x32xf32, #tpu.memory_space<vmem>> -> memref<320x32xf32, #tpu.memory_space<vmem>>
      tpu.enqueue_dma source(%dma_start3A_426 : memref<320x32xf32, #tpu.memory_space<vmem>>) target(%dma_start3A_422 : memref<320x32xf32, #tpu.memory_space<hbm>>) target_semaphore(%arg13 : memref<!tpu.dma_semaphore, #tpu.memory_space<semaphore_mem>>)
      %add3A_427 = arith.constant 2 : i32
      %add3A_428 = arith.addi %add3A_261, %add3A_427 : i32
      %add3A_429 = arith.constant 2 : i32
      %add3A_430 = arith.addi %add3A_428, %add3A_429 : i32
      %lt3A_431 = arith.constant 80 : i32
      %lt3A_432 = arith.cmpi slt, %add3A_430, %lt3A_431 : i32
      %convert_element_type3A_433 = arith.extui %lt3A_432 : i1 to i32
      %cond3A_434 = arith.constant 0 : i32
      %cond3A_435 = arith.cmpi ne, %convert_element_type3A_433, %cond3A_434 : i32
      scf.if %cond3A_435 {
        %add3A_595 = arith.constant 2 : i32
        %add3A_596 = arith.addi %add3A_428, %add3A_595 : i32
        %ge3A = arith.constant 4 : i32
        %ge3A_597 = arith.cmpi sge, %add3A_596, %ge3A : i32
        %convert_element_type3A_598 = arith.extui %ge3A_597 : i1 to i32
        %cond3A_599 = arith.constant 0 : i32
        %cond3A_600 = arith.cmpi ne, %convert_element_type3A_598, %cond3A_599 : i32
        scf.if %cond3A_600 {
          %mul3A_625 = arith.constant 320 : i32
          %mul3A_626 = arith.muli %add3A_428, %mul3A_625 : i32
          %add3A_627 = arith.addi %mul3A_2, %mul3A_626 : i32
          %dma_wait3A_628 = arith.constant 0 : i32
          %dma_wait3A_629 = arith.constant 0 : i32
          %dma_wait3A_630 = arith.constant 0 : i32
          %dma_wait3A_631 = arith.constant 0 : i32
          %dma_wait3A_632 = arith.constant 0 : i32
          %dma_wait3A_633 = tpu.memref_slice %arg7[%dma_wait3A_628, %dma_wait3A_629, %dma_wait3A_631, %dma_wait3A_632] : memref<4x2x320x32xf32, #tpu.memory_space<vmem>> -> memref<1x1x320x32xf32, #tpu.memory_space<vmem>>
          %dma_wait3A_634 = tpu.memref_squeeze %dma_wait3A_633 : memref<1x1x320x32xf32, #tpu.memory_space<vmem>> -> memref<320x32xf32, #tpu.memory_space<vmem>>
          %dma_wait3A_635 = arith.constant 0 : i32
          %dma_wait3A_636 = arith.constant 0 : i32
          %dma_wait3A_637 = tpu.memref_slice %arg5[%add3A_627, %dma_wait3A_635, %dma_wait3A_636] : memref<819200x2x32xf32, #tpu.memory_space<hbm>> -> memref<320x2x32xf32, #tpu.memory_space<hbm>>
          %dma_wait3A_638 = arith.constant 0 : i32
          %dma_wait3A_639 = arith.constant 0 : i32
          %dma_wait3A_640 = tpu.memref_slice %dma_wait3A_637[%dma_wait3A_638, %dma_wait3A_630, %dma_wait3A_639] : memref<320x2x32xf32, #tpu.memory_space<hbm>> -> memref<320x1x32xf32, #tpu.memory_space<hbm>>
          %dma_wait3A_641 = tpu.memref_squeeze %dma_wait3A_640 : memref<320x1x32xf32, #tpu.memory_space<hbm>> -> memref<320x32xf32, #tpu.memory_space<hbm>>
          %dma_wait3A_642 = arith.constant 0 : i32
          %dma_wait3A_643 = arith.constant 0 : i32
          %dma_wait3A_644 = tpu.memref_slice %arg5[%add3A_627, %dma_wait3A_642, %dma_wait3A_643] : memref<819200x2x32xf32, #tpu.memory_space<hbm>> -> memref<320x2x32xf32, #tpu.memory_space<hbm>>
          %dma_wait3A_645 = arith.constant 0 : i32
          %dma_wait3A_646 = arith.constant 0 : i32
          %dma_wait3A_647 = tpu.memref_slice %dma_wait3A_644[%dma_wait3A_645, %dma_wait3A_630, %dma_wait3A_646] : memref<320x2x32xf32, #tpu.memory_space<hbm>> -> memref<320x1x32xf32, #tpu.memory_space<hbm>>
          %dma_wait3A_648 = tpu.memref_squeeze %dma_wait3A_647 : memref<320x1x32xf32, #tpu.memory_space<hbm>> -> memref<320x32xf32, #tpu.memory_space<hbm>>
          %dma_wait3A_649 = arith.constant 0 : i32
          %dma_wait3A_650 = arith.constant 0 : i32
          %dma_wait3A_651 = tpu.memref_slice %arg7[%dma_wait3A_628, %dma_wait3A_629, %dma_wait3A_649, %dma_wait3A_650] : memref<4x2x320x32xf32, #tpu.memory_space<vmem>> -> memref<1x1x320x32xf32, #tpu.memory_space<vmem>>
          %dma_wait3A_652 = tpu.memref_squeeze %dma_wait3A_651 : memref<1x1x320x32xf32, #tpu.memory_space<vmem>> -> memref<320x32xf32, #tpu.memory_space<vmem>>
          tpu.wait_dma2 semaphore(%arg12 : memref<!tpu.dma_semaphore, #tpu.memory_space<semaphore_mem>>) src(%dma_wait3A_652 : memref<320x32xf32, #tpu.memory_space<vmem>>) dst(%dma_wait3A_648 : memref<320x32xf32, #tpu.memory_space<hbm>>)
          %dma_wait3A_653 = arith.constant 0 : i32
          %dma_wait3A_654 = arith.constant 1 : i32
          %dma_wait3A_655 = arith.constant 1 : i32
          %dma_wait3A_656 = arith.constant 0 : i32
          %dma_wait3A_657 = arith.constant 0 : i32
          %dma_wait3A_658 = tpu.memref_slice %arg7[%dma_wait3A_653, %dma_wait3A_654, %dma_wait3A_656, %dma_wait3A_657] : memref<4x2x320x32xf32, #tpu.memory_space<vmem>> -> memref<1x1x320x32xf32, #tpu.memory_space<vmem>>
          %dma_wait3A_659 = tpu.memref_squeeze %dma_wait3A_658 : memref<1x1x320x32xf32, #tpu.memory_space<vmem>> -> memref<320x32xf32, #tpu.memory_space<vmem>>
          %dma_wait3A_660 = arith.constant 0 : i32
          %dma_wait3A_661 = arith.constant 0 : i32
          %dma_wait3A_662 = tpu.memref_slice %arg5[%add3A_627, %dma_wait3A_660, %dma_wait3A_661] : memref<819200x2x32xf32, #tpu.memory_space<hbm>> -> memref<320x2x32xf32, #tpu.memory_space<hbm>>
          %dma_wait3A_663 = arith.constant 0 : i32
          %dma_wait3A_664 = arith.constant 0 : i32
          %dma_wait3A_665 = tpu.memref_slice %dma_wait3A_662[%dma_wait3A_663, %dma_wait3A_655, %dma_wait3A_664] : memref<320x2x32xf32, #tpu.memory_space<hbm>> -> memref<320x1x32xf32, #tpu.memory_space<hbm>>
          %dma_wait3A_666 = tpu.memref_squeeze %dma_wait3A_665 : memref<320x1x32xf32, #tpu.memory_space<hbm>> -> memref<320x32xf32, #tpu.memory_space<hbm>>
          %dma_wait3A_667 = arith.constant 0 : i32
          %dma_wait3A_668 = arith.constant 0 : i32
          %dma_wait3A_669 = tpu.memref_slice %arg5[%add3A_627, %dma_wait3A_667, %dma_wait3A_668] : memref<819200x2x32xf32, #tpu.memory_space<hbm>> -> memref<320x2x32xf32, #tpu.memory_space<hbm>>
          %dma_wait3A_670 = arith.constant 0 : i32
          %dma_wait3A_671 = arith.constant 0 : i32
          %dma_wait3A_672 = tpu.memref_slice %dma_wait3A_669[%dma_wait3A_670, %dma_wait3A_655, %dma_wait3A_671] : memref<320x2x32xf32, #tpu.memory_space<hbm>> -> memref<320x1x32xf32, #tpu.memory_space<hbm>>
          %dma_wait3A_673 = tpu.memref_squeeze %dma_wait3A_672 : memref<320x1x32xf32, #tpu.memory_space<hbm>> -> memref<320x32xf32, #tpu.memory_space<hbm>>
          %dma_wait3A_674 = arith.constant 0 : i32
          %dma_wait3A_675 = arith.constant 0 : i32
          %dma_wait3A_676 = tpu.memref_slice %arg7[%dma_wait3A_653, %dma_wait3A_654, %dma_wait3A_674, %dma_wait3A_675] : memref<4x2x320x32xf32, #tpu.memory_space<vmem>> -> memref<1x1x320x32xf32, #tpu.memory_space<vmem>>
          %dma_wait3A_677 = tpu.memref_squeeze %dma_wait3A_676 : memref<1x1x320x32xf32, #tpu.memory_space<vmem>> -> memref<320x32xf32, #tpu.memory_space<vmem>>
          tpu.wait_dma2 semaphore(%arg12 : memref<!tpu.dma_semaphore, #tpu.memory_space<semaphore_mem>>) src(%dma_wait3A_677 : memref<320x32xf32, #tpu.memory_space<vmem>>) dst(%dma_wait3A_673 : memref<320x32xf32, #tpu.memory_space<hbm>>)
        } else {
        }
        %add3A_601 = arith.constant 2 : i32
        %add3A_602 = arith.addi %add3A_428, %add3A_601 : i32
        %mul3A_603 = arith.constant 320 : i32
        %mul3A_604 = arith.muli %add3A_602, %mul3A_603 : i32
        %dma_start3A_605 = arith.constant 0 : i32
        %dma_start3A_606 = arith.constant 0 : i32
        %dma_start3A_607 = arith.constant 0 : i32
        %dma_start3A_608 = arith.constant 0 : i32
        %dma_start3A_609 = tpu.memref_slice %arg7[%dma_start3A_605, %dma_start3A_606, %dma_start3A_607, %dma_start3A_608] : memref<4x2x320x32xf32, #tpu.memory_space<vmem>> -> memref<1x1x320x32xf32, #tpu.memory_space<vmem>>
        %dma_start3A_610 = tpu.memref_squeeze %dma_start3A_609 : memref<1x1x320x32xf32, #tpu.memory_space<vmem>> -> memref<320x32xf32, #tpu.memory_space<vmem>>
        %dma_start3A_611 = tpu.memref_slice %arg6[%mul3A_604] : memref<25600xi32, #tpu.memory_space<vmem>> -> memref<320xi32, #tpu.memory_space<vmem>>
        %dma_start3A_612 = arith.constant 0 : i32
        %dma_start3A_613 = arith.constant 0 : i32
        %dma_start3A_614 = tpu.memref_slice %arg3[%dma_start3A_612, %dma_start3A_613] : memref<1015808x32xf32, #tpu.memory_space<hbm>> -> memref<1015808x32xf32, #tpu.memory_space<hbm>>
        tpu.enqueue_indirect_dma source(%dma_start3A_614 : memref<1015808x32xf32, #tpu.memory_space<hbm>>) target(%dma_start3A_610 : memref<320x32xf32, #tpu.memory_space<vmem>>) offsets(%dma_start3A_611 : memref<320xi32, #tpu.memory_space<vmem>>) semaphore(%arg8 : memref<!tpu.dma_semaphore, #tpu.memory_space<semaphore_mem>>)
        %dma_start3A_615 = arith.constant 0 : i32
        %dma_start3A_616 = arith.constant 1 : i32
        %dma_start3A_617 = arith.constant 0 : i32
        %dma_start3A_618 = arith.constant 0 : i32
        %dma_start3A_619 = tpu.memref_slice %arg7[%dma_start3A_615, %dma_start3A_616, %dma_start3A_617, %dma_start3A_618] : memref<4x2x320x32xf32, #tpu.memory_space<vmem>> -> memref<1x1x320x32xf32, #tpu.memory_space<vmem>>
        %dma_start3A_620 = tpu.memref_squeeze %dma_start3A_619 : memref<1x1x320x32xf32, #tpu.memory_space<vmem>> -> memref<320x32xf32, #tpu.memory_space<vmem>>
        %dma_start3A_621 = tpu.memref_slice %arg6[%mul3A_604] : memref<25600xi32, #tpu.memory_space<vmem>> -> memref<320xi32, #tpu.memory_space<vmem>>
        %dma_start3A_622 = arith.constant 0 : i32
        %dma_start3A_623 = arith.constant 0 : i32
        %dma_start3A_624 = tpu.memref_slice %arg4[%dma_start3A_622, %dma_start3A_623] : memref<1015808x32xf32, #tpu.memory_space<hbm>> -> memref<1015808x32xf32, #tpu.memory_space<hbm>>
        tpu.enqueue_indirect_dma source(%dma_start3A_624 : memref<1015808x32xf32, #tpu.memory_space<hbm>>) target(%dma_start3A_620 : memref<320x32xf32, #tpu.memory_space<vmem>>) offsets(%dma_start3A_621 : memref<320xi32, #tpu.memory_space<vmem>>) semaphore(%arg8 : memref<!tpu.dma_semaphore, #tpu.memory_space<semaphore_mem>>)
      } else {
      }
      %mul3A_436 = arith.constant 320 : i32
      %mul3A_437 = arith.muli %add3A_428, %mul3A_436 : i32
      %dma_wait3A_438 = arith.constant 2 : i32
      %dma_wait3A_439 = arith.constant 0 : i32
      %dma_wait3A_440 = arith.constant 0 : i32
      %dma_wait3A_441 = arith.constant 0 : i32
      %dma_wait3A_442 = tpu.memref_slice %arg7[%dma_wait3A_438, %dma_wait3A_439, %dma_wait3A_440, %dma_wait3A_441] : memref<4x2x320x32xf32, #tpu.memory_space<vmem>> -> memref<1x1x320x32xf32, #tpu.memory_space<vmem>>
      %dma_wait3A_443 = tpu.memref_squeeze %dma_wait3A_442 : memref<1x1x320x32xf32, #tpu.memory_space<vmem>> -> memref<320x32xf32, #tpu.memory_space<vmem>>
      %dma_wait3A_444 = tpu.memref_slice %arg6[%mul3A_437] : memref<25600xi32, #tpu.memory_space<vmem>> -> memref<320xi32, #tpu.memory_space<vmem>>
      %dma_wait3A_445 = arith.constant 0 : i32
      %dma_wait3A_446 = arith.constant 0 : i32
      %dma_wait3A_447 = tpu.memref_slice %arg3[%dma_wait3A_445, %dma_wait3A_446] : memref<1015808x32xf32, #tpu.memory_space<hbm>> -> memref<1015808x32xf32, #tpu.memory_space<hbm>>
      tpu.wait_indirect_dma semaphore(%arg10 : memref<!tpu.dma_semaphore, #tpu.memory_space<semaphore_mem>>) src(%dma_wait3A_447 : memref<1015808x32xf32, #tpu.memory_space<hbm>>) dst(%dma_wait3A_443 : memref<320x32xf32, #tpu.memory_space<vmem>>)
      %dma_wait3A_448 = arith.constant 2 : i32
      %dma_wait3A_449 = arith.constant 1 : i32
      %dma_wait3A_450 = arith.constant 0 : i32
      %dma_wait3A_451 = arith.constant 0 : i32
      %dma_wait3A_452 = tpu.memref_slice %arg7[%dma_wait3A_448, %dma_wait3A_449, %dma_wait3A_450, %dma_wait3A_451] : memref<4x2x320x32xf32, #tpu.memory_space<vmem>> -> memref<1x1x320x32xf32, #tpu.memory_space<vmem>>
      %dma_wait3A_453 = tpu.memref_squeeze %dma_wait3A_452 : memref<1x1x320x32xf32, #tpu.memory_space<vmem>> -> memref<320x32xf32, #tpu.memory_space<vmem>>
      %dma_wait3A_454 = tpu.memref_slice %arg6[%mul3A_437] : memref<25600xi32, #tpu.memory_space<vmem>> -> memref<320xi32, #tpu.memory_space<vmem>>
      %dma_wait3A_455 = arith.constant 0 : i32
      %dma_wait3A_456 = arith.constant 0 : i32
      %dma_wait3A_457 = tpu.memref_slice %arg4[%dma_wait3A_455, %dma_wait3A_456] : memref<1015808x32xf32, #tpu.memory_space<hbm>> -> memref<1015808x32xf32, #tpu.memory_space<hbm>>
      tpu.wait_indirect_dma semaphore(%arg10 : memref<!tpu.dma_semaphore, #tpu.memory_space<semaphore_mem>>) src(%dma_wait3A_457 : memref<1015808x32xf32, #tpu.memory_space<hbm>>) dst(%dma_wait3A_453 : memref<320x32xf32, #tpu.memory_space<vmem>>)
      %mul3A_458 = arith.constant 320 : i32
      %mul3A_459 = arith.muli %add3A_428, %mul3A_458 : i32
      %add3A_460 = arith.addi %mul3A_2, %mul3A_459 : i32
      %dma_start3A_461 = arith.constant 2 : i32
      %dma_start3A_462 = arith.constant 0 : i32
      %dma_start3A_463 = arith.constant 0 : i32
      %dma_start3A_464 = arith.constant 0 : i32
      %dma_start3A_465 = arith.constant 0 : i32
      %dma_start3A_466 = tpu.memref_slice %arg7[%dma_start3A_461, %dma_start3A_462, %dma_start3A_464, %dma_start3A_465] : memref<4x2x320x32xf32, #tpu.memory_space<vmem>> -> memref<1x1x320x32xf32, #tpu.memory_space<vmem>>
      %dma_start3A_467 = tpu.memref_squeeze %dma_start3A_466 : memref<1x1x320x32xf32, #tpu.memory_space<vmem>> -> memref<320x32xf32, #tpu.memory_space<vmem>>
      %dma_start3A_468 = arith.constant 0 : i32
      %dma_start3A_469 = arith.constant 0 : i32
      %dma_start3A_470 = tpu.memref_slice %arg5[%add3A_460, %dma_start3A_468, %dma_start3A_469] : memref<819200x2x32xf32, #tpu.memory_space<hbm>> -> memref<320x2x32xf32, #tpu.memory_space<hbm>>
      %dma_start3A_471 = arith.constant 0 : i32
      %dma_start3A_472 = arith.constant 0 : i32
      %dma_start3A_473 = tpu.memref_slice %dma_start3A_470[%dma_start3A_471, %dma_start3A_463, %dma_start3A_472] : memref<320x2x32xf32, #tpu.memory_space<hbm>> -> memref<320x1x32xf32, #tpu.memory_space<hbm>>
      %dma_start3A_474 = tpu.memref_squeeze %dma_start3A_473 : memref<320x1x32xf32, #tpu.memory_space<hbm>> -> memref<320x32xf32, #tpu.memory_space<hbm>>
      %dma_start3A_475 = arith.constant 0 : i32
      %dma_start3A_476 = arith.constant 0 : i32
      %dma_start3A_477 = tpu.memref_slice %arg5[%add3A_460, %dma_start3A_475, %dma_start3A_476] : memref<819200x2x32xf32, #tpu.memory_space<hbm>> -> memref<320x2x32xf32, #tpu.memory_space<hbm>>
      %dma_start3A_478 = arith.constant 0 : i32
      %dma_start3A_479 = arith.constant 0 : i32
      %dma_start3A_480 = tpu.memref_slice %dma_start3A_477[%dma_start3A_478, %dma_start3A_463, %dma_start3A_479] : memref<320x2x32xf32, #tpu.memory_space<hbm>> -> memref<320x1x32xf32, #tpu.memory_space<hbm>>
      %dma_start3A_481 = tpu.memref_squeeze %dma_start3A_480 : memref<320x1x32xf32, #tpu.memory_space<hbm>> -> memref<320x32xf32, #tpu.memory_space<hbm>>
      %dma_start3A_482 = arith.constant 0 : i32
      %dma_start3A_483 = arith.constant 0 : i32
      %dma_start3A_484 = tpu.memref_slice %arg7[%dma_start3A_461, %dma_start3A_462, %dma_start3A_482, %dma_start3A_483] : memref<4x2x320x32xf32, #tpu.memory_space<vmem>> -> memref<1x1x320x32xf32, #tpu.memory_space<vmem>>
      %dma_start3A_485 = tpu.memref_squeeze %dma_start3A_484 : memref<1x1x320x32xf32, #tpu.memory_space<vmem>> -> memref<320x32xf32, #tpu.memory_space<vmem>>
      tpu.enqueue_dma source(%dma_start3A_485 : memref<320x32xf32, #tpu.memory_space<vmem>>) target(%dma_start3A_481 : memref<320x32xf32, #tpu.memory_space<hbm>>) target_semaphore(%arg14 : memref<!tpu.dma_semaphore, #tpu.memory_space<semaphore_mem>>)
      %dma_start3A_486 = arith.constant 2 : i32
      %dma_start3A_487 = arith.constant 1 : i32
      %dma_start3A_488 = arith.constant 1 : i32
      %dma_start3A_489 = arith.constant 0 : i32
      %dma_start3A_490 = arith.constant 0 : i32
      %dma_start3A_491 = tpu.memref_slice %arg7[%dma_start3A_486, %dma_start3A_487, %dma_start3A_489, %dma_start3A_490] : memref<4x2x320x32xf32, #tpu.memory_space<vmem>> -> memref<1x1x320x32xf32, #tpu.memory_space<vmem>>
      %dma_start3A_492 = tpu.memref_squeeze %dma_start3A_491 : memref<1x1x320x32xf32, #tpu.memory_space<vmem>> -> memref<320x32xf32, #tpu.memory_space<vmem>>
      %dma_start3A_493 = arith.constant 0 : i32
      %dma_start3A_494 = arith.constant 0 : i32
      %dma_start3A_495 = tpu.memref_slice %arg5[%add3A_460, %dma_start3A_493, %dma_start3A_494] : memref<819200x2x32xf32, #tpu.memory_space<hbm>> -> memref<320x2x32xf32, #tpu.memory_space<hbm>>
      %dma_start3A_496 = arith.constant 0 : i32
      %dma_start3A_497 = arith.constant 0 : i32
      %dma_start3A_498 = tpu.memref_slice %dma_start3A_495[%dma_start3A_496, %dma_start3A_488, %dma_start3A_497] : memref<320x2x32xf32, #tpu.memory_space<hbm>> -> memref<320x1x32xf32, #tpu.memory_space<hbm>>
      %dma_start3A_499 = tpu.memref_squeeze %dma_start3A_498 : memref<320x1x32xf32, #tpu.memory_space<hbm>> -> memref<320x32xf32, #tpu.memory_space<hbm>>
      %dma_start3A_500 = arith.constant 0 : i32
      %dma_start3A_501 = arith.constant 0 : i32
      %dma_start3A_502 = tpu.memref_slice %arg5[%add3A_460, %dma_start3A_500, %dma_start3A_501] : memref<819200x2x32xf32, #tpu.memory_space<hbm>> -> memref<320x2x32xf32, #tpu.memory_space<hbm>>
      %dma_start3A_503 = arith.constant 0 : i32
      %dma_start3A_504 = arith.constant 0 : i32
      %dma_start3A_505 = tpu.memref_slice %dma_start3A_502[%dma_start3A_503, %dma_start3A_488, %dma_start3A_504] : memref<320x2x32xf32, #tpu.memory_space<hbm>> -> memref<320x1x32xf32, #tpu.memory_space<hbm>>
      %dma_start3A_506 = tpu.memref_squeeze %dma_start3A_505 : memref<320x1x32xf32, #tpu.memory_space<hbm>> -> memref<320x32xf32, #tpu.memory_space<hbm>>
      %dma_start3A_507 = arith.constant 0 : i32
      %dma_start3A_508 = arith.constant 0 : i32
      %dma_start3A_509 = tpu.memref_slice %arg7[%dma_start3A_486, %dma_start3A_487, %dma_start3A_507, %dma_start3A_508] : memref<4x2x320x32xf32, #tpu.memory_space<vmem>> -> memref<1x1x320x32xf32, #tpu.memory_space<vmem>>
      %dma_start3A_510 = tpu.memref_squeeze %dma_start3A_509 : memref<1x1x320x32xf32, #tpu.memory_space<vmem>> -> memref<320x32xf32, #tpu.memory_space<vmem>>
      tpu.enqueue_dma source(%dma_start3A_510 : memref<320x32xf32, #tpu.memory_space<vmem>>) target(%dma_start3A_506 : memref<320x32xf32, #tpu.memory_space<hbm>>) target_semaphore(%arg14 : memref<!tpu.dma_semaphore, #tpu.memory_space<semaphore_mem>>)
      %add3A_511 = arith.constant 3 : i32
      %add3A_512 = arith.addi %add3A_261, %add3A_511 : i32
      %add3A_513 = arith.constant 2 : i32
      %add3A_514 = arith.addi %add3A_512, %add3A_513 : i32
      %lt3A_515 = arith.constant 80 : i32
      %lt3A_516 = arith.cmpi slt, %add3A_514, %lt3A_515 : i32
      %convert_element_type3A_517 = arith.extui %lt3A_516 : i1 to i32
      %cond3A_518 = arith.constant 0 : i32
      %cond3A_519 = arith.cmpi ne, %convert_element_type3A_517, %cond3A_518 : i32
      scf.if %cond3A_519 {
        %add3A_595 = arith.constant 2 : i32
        %add3A_596 = arith.addi %add3A_512, %add3A_595 : i32
        %ge3A = arith.constant 4 : i32
        %ge3A_597 = arith.cmpi sge, %add3A_596, %ge3A : i32
        %convert_element_type3A_598 = arith.extui %ge3A_597 : i1 to i32
        %cond3A_599 = arith.constant 0 : i32
        %cond3A_600 = arith.cmpi ne, %convert_element_type3A_598, %cond3A_599 : i32
        scf.if %cond3A_600 {
          %mul3A_625 = arith.constant 320 : i32
          %mul3A_626 = arith.muli %add3A_512, %mul3A_625 : i32
          %add3A_627 = arith.addi %mul3A_2, %mul3A_626 : i32
          %dma_wait3A_628 = arith.constant 1 : i32
          %dma_wait3A_629 = arith.constant 0 : i32
          %dma_wait3A_630 = arith.constant 0 : i32
          %dma_wait3A_631 = arith.constant 0 : i32
          %dma_wait3A_632 = arith.constant 0 : i32
          %dma_wait3A_633 = tpu.memref_slice %arg7[%dma_wait3A_628, %dma_wait3A_629, %dma_wait3A_631, %dma_wait3A_632] : memref<4x2x320x32xf32, #tpu.memory_space<vmem>> -> memref<1x1x320x32xf32, #tpu.memory_space<vmem>>
          %dma_wait3A_634 = tpu.memref_squeeze %dma_wait3A_633 : memref<1x1x320x32xf32, #tpu.memory_space<vmem>> -> memref<320x32xf32, #tpu.memory_space<vmem>>
          %dma_wait3A_635 = arith.constant 0 : i32
          %dma_wait3A_636 = arith.constant 0 : i32
          %dma_wait3A_637 = tpu.memref_slice %arg5[%add3A_627, %dma_wait3A_635, %dma_wait3A_636] : memref<819200x2x32xf32, #tpu.memory_space<hbm>> -> memref<320x2x32xf32, #tpu.memory_space<hbm>>
          %dma_wait3A_638 = arith.constant 0 : i32
          %dma_wait3A_639 = arith.constant 0 : i32
          %dma_wait3A_640 = tpu.memref_slice %dma_wait3A_637[%dma_wait3A_638, %dma_wait3A_630, %dma_wait3A_639] : memref<320x2x32xf32, #tpu.memory_space<hbm>> -> memref<320x1x32xf32, #tpu.memory_space<hbm>>
          %dma_wait3A_641 = tpu.memref_squeeze %dma_wait3A_640 : memref<320x1x32xf32, #tpu.memory_space<hbm>> -> memref<320x32xf32, #tpu.memory_space<hbm>>
          %dma_wait3A_642 = arith.constant 0 : i32
          %dma_wait3A_643 = arith.constant 0 : i32
          %dma_wait3A_644 = tpu.memref_slice %arg5[%add3A_627, %dma_wait3A_642, %dma_wait3A_643] : memref<819200x2x32xf32, #tpu.memory_space<hbm>> -> memref<320x2x32xf32, #tpu.memory_space<hbm>>
          %dma_wait3A_645 = arith.constant 0 : i32
          %dma_wait3A_646 = arith.constant 0 : i32
          %dma_wait3A_647 = tpu.memref_slice %dma_wait3A_644[%dma_wait3A_645, %dma_wait3A_630, %dma_wait3A_646] : memref<320x2x32xf32, #tpu.memory_space<hbm>> -> memref<320x1x32xf32, #tpu.memory_space<hbm>>
          %dma_wait3A_648 = tpu.memref_squeeze %dma_wait3A_647 : memref<320x1x32xf32, #tpu.memory_space<hbm>> -> memref<320x32xf32, #tpu.memory_space<hbm>>
          %dma_wait3A_649 = arith.constant 0 : i32
          %dma_wait3A_650 = arith.constant 0 : i32
          %dma_wait3A_651 = tpu.memref_slice %arg7[%dma_wait3A_628, %dma_wait3A_629, %dma_wait3A_649, %dma_wait3A_650] : memref<4x2x320x32xf32, #tpu.memory_space<vmem>> -> memref<1x1x320x32xf32, #tpu.memory_space<vmem>>
          %dma_wait3A_652 = tpu.memref_squeeze %dma_wait3A_651 : memref<1x1x320x32xf32, #tpu.memory_space<vmem>> -> memref<320x32xf32, #tpu.memory_space<vmem>>
          tpu.wait_dma2 semaphore(%arg13 : memref<!tpu.dma_semaphore, #tpu.memory_space<semaphore_mem>>) src(%dma_wait3A_652 : memref<320x32xf32, #tpu.memory_space<vmem>>) dst(%dma_wait3A_648 : memref<320x32xf32, #tpu.memory_space<hbm>>)
          %dma_wait3A_653 = arith.constant 1 : i32
          %dma_wait3A_654 = arith.constant 1 : i32
          %dma_wait3A_655 = arith.constant 1 : i32
          %dma_wait3A_656 = arith.constant 0 : i32
          %dma_wait3A_657 = arith.constant 0 : i32
          %dma_wait3A_658 = tpu.memref_slice %arg7[%dma_wait3A_653, %dma_wait3A_654, %dma_wait3A_656, %dma_wait3A_657] : memref<4x2x320x32xf32, #tpu.memory_space<vmem>> -> memref<1x1x320x32xf32, #tpu.memory_space<vmem>>
          %dma_wait3A_659 = tpu.memref_squeeze %dma_wait3A_658 : memref<1x1x320x32xf32, #tpu.memory_space<vmem>> -> memref<320x32xf32, #tpu.memory_space<vmem>>
          %dma_wait3A_660 = arith.constant 0 : i32
          %dma_wait3A_661 = arith.constant 0 : i32
          %dma_wait3A_662 = tpu.memref_slice %arg5[%add3A_627, %dma_wait3A_660, %dma_wait3A_661] : memref<819200x2x32xf32, #tpu.memory_space<hbm>> -> memref<320x2x32xf32, #tpu.memory_space<hbm>>
          %dma_wait3A_663 = arith.constant 0 : i32
          %dma_wait3A_664 = arith.constant 0 : i32
          %dma_wait3A_665 = tpu.memref_slice %dma_wait3A_662[%dma_wait3A_663, %dma_wait3A_655, %dma_wait3A_664] : memref<320x2x32xf32, #tpu.memory_space<hbm>> -> memref<320x1x32xf32, #tpu.memory_space<hbm>>
          %dma_wait3A_666 = tpu.memref_squeeze %dma_wait3A_665 : memref<320x1x32xf32, #tpu.memory_space<hbm>> -> memref<320x32xf32, #tpu.memory_space<hbm>>
          %dma_wait3A_667 = arith.constant 0 : i32
          %dma_wait3A_668 = arith.constant 0 : i32
          %dma_wait3A_669 = tpu.memref_slice %arg5[%add3A_627, %dma_wait3A_667, %dma_wait3A_668] : memref<819200x2x32xf32, #tpu.memory_space<hbm>> -> memref<320x2x32xf32, #tpu.memory_space<hbm>>
          %dma_wait3A_670 = arith.constant 0 : i32
          %dma_wait3A_671 = arith.constant 0 : i32
          %dma_wait3A_672 = tpu.memref_slice %dma_wait3A_669[%dma_wait3A_670, %dma_wait3A_655, %dma_wait3A_671] : memref<320x2x32xf32, #tpu.memory_space<hbm>> -> memref<320x1x32xf32, #tpu.memory_space<hbm>>
          %dma_wait3A_673 = tpu.memref_squeeze %dma_wait3A_672 : memref<320x1x32xf32, #tpu.memory_space<hbm>> -> memref<320x32xf32, #tpu.memory_space<hbm>>
          %dma_wait3A_674 = arith.constant 0 : i32
          %dma_wait3A_675 = arith.constant 0 : i32
          %dma_wait3A_676 = tpu.memref_slice %arg7[%dma_wait3A_653, %dma_wait3A_654, %dma_wait3A_674, %dma_wait3A_675] : memref<4x2x320x32xf32, #tpu.memory_space<vmem>> -> memref<1x1x320x32xf32, #tpu.memory_space<vmem>>
          %dma_wait3A_677 = tpu.memref_squeeze %dma_wait3A_676 : memref<1x1x320x32xf32, #tpu.memory_space<vmem>> -> memref<320x32xf32, #tpu.memory_space<vmem>>
          tpu.wait_dma2 semaphore(%arg13 : memref<!tpu.dma_semaphore, #tpu.memory_space<semaphore_mem>>) src(%dma_wait3A_677 : memref<320x32xf32, #tpu.memory_space<vmem>>) dst(%dma_wait3A_673 : memref<320x32xf32, #tpu.memory_space<hbm>>)
        } else {
        }
        %add3A_601 = arith.constant 2 : i32
        %add3A_602 = arith.addi %add3A_512, %add3A_601 : i32
        %mul3A_603 = arith.constant 320 : i32
        %mul3A_604 = arith.muli %add3A_602, %mul3A_603 : i32
        %dma_start3A_605 = arith.constant 1 : i32
        %dma_start3A_606 = arith.constant 0 : i32
        %dma_start3A_607 = arith.constant 0 : i32
        %dma_start3A_608 = arith.constant 0 : i32
        %dma_start3A_609 = tpu.memref_slice %arg7[%dma_start3A_605, %dma_start3A_606, %dma_start3A_607, %dma_start3A_608] : memref<4x2x320x32xf32, #tpu.memory_space<vmem>> -> memref<1x1x320x32xf32, #tpu.memory_space<vmem>>
        %dma_start3A_610 = tpu.memref_squeeze %dma_start3A_609 : memref<1x1x320x32xf32, #tpu.memory_space<vmem>> -> memref<320x32xf32, #tpu.memory_space<vmem>>
        %dma_start3A_611 = tpu.memref_slice %arg6[%mul3A_604] : memref<25600xi32, #tpu.memory_space<vmem>> -> memref<320xi32, #tpu.memory_space<vmem>>
        %dma_start3A_612 = arith.constant 0 : i32
        %dma_start3A_613 = arith.constant 0 : i32
        %dma_start3A_614 = tpu.memref_slice %arg3[%dma_start3A_612, %dma_start3A_613] : memref<1015808x32xf32, #tpu.memory_space<hbm>> -> memref<1015808x32xf32, #tpu.memory_space<hbm>>
        tpu.enqueue_indirect_dma source(%dma_start3A_614 : memref<1015808x32xf32, #tpu.memory_space<hbm>>) target(%dma_start3A_610 : memref<320x32xf32, #tpu.memory_space<vmem>>) offsets(%dma_start3A_611 : memref<320xi32, #tpu.memory_space<vmem>>) semaphore(%arg9 : memref<!tpu.dma_semaphore, #tpu.memory_space<semaphore_mem>>)
        %dma_start3A_615 = arith.constant 1 : i32
        %dma_start3A_616 = arith.constant 1 : i32
        %dma_start3A_617 = arith.constant 0 : i32
        %dma_start3A_618 = arith.constant 0 : i32
        %dma_start3A_619 = tpu.memref_slice %arg7[%dma_start3A_615, %dma_start3A_616, %dma_start3A_617, %dma_start3A_618] : memref<4x2x320x32xf32, #tpu.memory_space<vmem>> -> memref<1x1x320x32xf32, #tpu.memory_space<vmem>>
        %dma_start3A_620 = tpu.memref_squeeze %dma_start3A_619 : memref<1x1x320x32xf32, #tpu.memory_space<vmem>> -> memref<320x32xf32, #tpu.memory_space<vmem>>
        %dma_start3A_621 = tpu.memref_slice %arg6[%mul3A_604] : memref<25600xi32, #tpu.memory_space<vmem>> -> memref<320xi32, #tpu.memory_space<vmem>>
        %dma_start3A_622 = arith.constant 0 : i32
        %dma_start3A_623 = arith.constant 0 : i32
        %dma_start3A_624 = tpu.memref_slice %arg4[%dma_start3A_622, %dma_start3A_623] : memref<1015808x32xf32, #tpu.memory_space<hbm>> -> memref<1015808x32xf32, #tpu.memory_space<hbm>>
        tpu.enqueue_indirect_dma source(%dma_start3A_624 : memref<1015808x32xf32, #tpu.memory_space<hbm>>) target(%dma_start3A_620 : memref<320x32xf32, #tpu.memory_space<vmem>>) offsets(%dma_start3A_621 : memref<320xi32, #tpu.memory_space<vmem>>) semaphore(%arg9 : memref<!tpu.dma_semaphore, #tpu.memory_space<semaphore_mem>>)
      } else {
      }
      %mul3A_520 = arith.constant 320 : i32
      %mul3A_521 = arith.muli %add3A_512, %mul3A_520 : i32
      %dma_wait3A_522 = arith.constant 3 : i32
      %dma_wait3A_523 = arith.constant 0 : i32
      %dma_wait3A_524 = arith.constant 0 : i32
      %dma_wait3A_525 = arith.constant 0 : i32
      %dma_wait3A_526 = tpu.memref_slice %arg7[%dma_wait3A_522, %dma_wait3A_523, %dma_wait3A_524, %dma_wait3A_525] : memref<4x2x320x32xf32, #tpu.memory_space<vmem>> -> memref<1x1x320x32xf32, #tpu.memory_space<vmem>>
      %dma_wait3A_527 = tpu.memref_squeeze %dma_wait3A_526 : memref<1x1x320x32xf32, #tpu.memory_space<vmem>> -> memref<320x32xf32, #tpu.memory_space<vmem>>
      %dma_wait3A_528 = tpu.memref_slice %arg6[%mul3A_521] : memref<25600xi32, #tpu.memory_space<vmem>> -> memref<320xi32, #tpu.memory_space<vmem>>
      %dma_wait3A_529 = arith.constant 0 : i32
      %dma_wait3A_530 = arith.constant 0 : i32
      %dma_wait3A_531 = tpu.memref_slice %arg3[%dma_wait3A_529, %dma_wait3A_530] : memref<1015808x32xf32, #tpu.memory_space<hbm>> -> memref<1015808x32xf32, #tpu.memory_space<hbm>>
      tpu.wait_indirect_dma semaphore(%arg11 : memref<!tpu.dma_semaphore, #tpu.memory_space<semaphore_mem>>) src(%dma_wait3A_531 : memref<1015808x32xf32, #tpu.memory_space<hbm>>) dst(%dma_wait3A_527 : memref<320x32xf32, #tpu.memory_space<vmem>>)
      %dma_wait3A_532 = arith.constant 3 : i32
      %dma_wait3A_533 = arith.constant 1 : i32
      %dma_wait3A_534 = arith.constant 0 : i32
      %dma_wait3A_535 = arith.constant 0 : i32
      %dma_wait3A_536 = tpu.memref_slice %arg7[%dma_wait3A_532, %dma_wait3A_533, %dma_wait3A_534, %dma_wait3A_535] : memref<4x2x320x32xf32, #tpu.memory_space<vmem>> -> memref<1x1x320x32xf32, #tpu.memory_space<vmem>>
      %dma_wait3A_537 = tpu.memref_squeeze %dma_wait3A_536 : memref<1x1x320x32xf32, #tpu.memory_space<vmem>> -> memref<320x32xf32, #tpu.memory_space<vmem>>
      %dma_wait3A_538 = tpu.memref_slice %arg6[%mul3A_521] : memref<25600xi32, #tpu.memory_space<vmem>> -> memref<320xi32, #tpu.memory_space<vmem>>
      %dma_wait3A_539 = arith.constant 0 : i32
      %dma_wait3A_540 = arith.constant 0 : i32
      %dma_wait3A_541 = tpu.memref_slice %arg4[%dma_wait3A_539, %dma_wait3A_540] : memref<1015808x32xf32, #tpu.memory_space<hbm>> -> memref<1015808x32xf32, #tpu.memory_space<hbm>>
      tpu.wait_indirect_dma semaphore(%arg11 : memref<!tpu.dma_semaphore, #tpu.memory_space<semaphore_mem>>) src(%dma_wait3A_541 : memref<1015808x32xf32, #tpu.memory_space<hbm>>) dst(%dma_wait3A_537 : memref<320x32xf32, #tpu.memory_space<vmem>>)
      %mul3A_542 = arith.constant 320 : i32
      %mul3A_543 = arith.muli %add3A_512, %mul3A_542 : i32
      %add3A_544 = arith.addi %mul3A_2, %mul3A_543 : i32
      %dma_start3A_545 = arith.constant 3 : i32
      %dma_start3A_546 = arith.constant 0 : i32
      %dma_start3A_547 = arith.constant 0 : i32
      %dma_start3A_548 = arith.constant 0 : i32
      %dma_start3A_549 = arith.constant 0 : i32
      %dma_start3A_550 = tpu.memref_slice %arg7[%dma_start3A_545, %dma_start3A_546, %dma_start3A_548, %dma_start3A_549] : memref<4x2x320x32xf32, #tpu.memory_space<vmem>> -> memref<1x1x320x32xf32, #tpu.memory_space<vmem>>
      %dma_start3A_551 = tpu.memref_squeeze %dma_start3A_550 : memref<1x1x320x32xf32, #tpu.memory_space<vmem>> -> memref<320x32xf32, #tpu.memory_space<vmem>>
      %dma_start3A_552 = arith.constant 0 : i32
      %dma_start3A_553 = arith.constant 0 : i32
      %dma_start3A_554 = tpu.memref_slice %arg5[%add3A_544, %dma_start3A_552, %dma_start3A_553] : memref<819200x2x32xf32, #tpu.memory_space<hbm>> -> memref<320x2x32xf32, #tpu.memory_space<hbm>>
      %dma_start3A_555 = arith.constant 0 : i32
      %dma_start3A_556 = arith.constant 0 : i32
      %dma_start3A_557 = tpu.memref_slice %dma_start3A_554[%dma_start3A_555, %dma_start3A_547, %dma_start3A_556] : memref<320x2x32xf32, #tpu.memory_space<hbm>> -> memref<320x1x32xf32, #tpu.memory_space<hbm>>
      %dma_start3A_558 = tpu.memref_squeeze %dma_start3A_557 : memref<320x1x32xf32, #tpu.memory_space<hbm>> -> memref<320x32xf32, #tpu.memory_space<hbm>>
      %dma_start3A_559 = arith.constant 0 : i32
      %dma_start3A_560 = arith.constant 0 : i32
      %dma_start3A_561 = tpu.memref_slice %arg5[%add3A_544, %dma_start3A_559, %dma_start3A_560] : memref<819200x2x32xf32, #tpu.memory_space<hbm>> -> memref<320x2x32xf32, #tpu.memory_space<hbm>>
      %dma_start3A_562 = arith.constant 0 : i32
      %dma_start3A_563 = arith.constant 0 : i32
      %dma_start3A_564 = tpu.memref_slice %dma_start3A_561[%dma_start3A_562, %dma_start3A_547, %dma_start3A_563] : memref<320x2x32xf32, #tpu.memory_space<hbm>> -> memref<320x1x32xf32, #tpu.memory_space<hbm>>
      %dma_start3A_565 = tpu.memref_squeeze %dma_start3A_564 : memref<320x1x32xf32, #tpu.memory_space<hbm>> -> memref<320x32xf32, #tpu.memory_space<hbm>>
      %dma_start3A_566 = arith.constant 0 : i32
      %dma_start3A_567 = arith.constant 0 : i32
      %dma_start3A_568 = tpu.memref_slice %arg7[%dma_start3A_545, %dma_start3A_546, %dma_start3A_566, %dma_start3A_567] : memref<4x2x320x32xf32, #tpu.memory_space<vmem>> -> memref<1x1x320x32xf32, #tpu.memory_space<vmem>>
      %dma_start3A_569 = tpu.memref_squeeze %dma_start3A_568 : memref<1x1x320x32xf32, #tpu.memory_space<vmem>> -> memref<320x32xf32, #tpu.memory_space<vmem>>
      tpu.enqueue_dma source(%dma_start3A_569 : memref<320x32xf32, #tpu.memory_space<vmem>>) target(%dma_start3A_565 : memref<320x32xf32, #tpu.memory_space<hbm>>) target_semaphore(%arg15 : memref<!tpu.dma_semaphore, #tpu.memory_space<semaphore_mem>>)
      %dma_start3A_570 = arith.constant 3 : i32
      %dma_start3A_571 = arith.constant 1 : i32
      %dma_start3A_572 = arith.constant 1 : i32
      %dma_start3A_573 = arith.constant 0 : i32
      %dma_start3A_574 = arith.constant 0 : i32
      %dma_start3A_575 = tpu.memref_slice %arg7[%dma_start3A_570, %dma_start3A_571, %dma_start3A_573, %dma_start3A_574] : memref<4x2x320x32xf32, #tpu.memory_space<vmem>> -> memref<1x1x320x32xf32, #tpu.memory_space<vmem>>
      %dma_start3A_576 = tpu.memref_squeeze %dma_start3A_575 : memref<1x1x320x32xf32, #tpu.memory_space<vmem>> -> memref<320x32xf32, #tpu.memory_space<vmem>>
      %dma_start3A_577 = arith.constant 0 : i32
      %dma_start3A_578 = arith.constant 0 : i32
      %dma_start3A_579 = tpu.memref_slice %arg5[%add3A_544, %dma_start3A_577, %dma_start3A_578] : memref<819200x2x32xf32, #tpu.memory_space<hbm>> -> memref<320x2x32xf32, #tpu.memory_space<hbm>>
      %dma_start3A_580 = arith.constant 0 : i32
      %dma_start3A_581 = arith.constant 0 : i32
      %dma_start3A_582 = tpu.memref_slice %dma_start3A_579[%dma_start3A_580, %dma_start3A_572, %dma_start3A_581] : memref<320x2x32xf32, #tpu.memory_space<hbm>> -> memref<320x1x32xf32, #tpu.memory_space<hbm>>
      %dma_start3A_583 = tpu.memref_squeeze %dma_start3A_582 : memref<320x1x32xf32, #tpu.memory_space<hbm>> -> memref<320x32xf32, #tpu.memory_space<hbm>>
      %dma_start3A_584 = arith.constant 0 : i32
      %dma_start3A_585 = arith.constant 0 : i32
      %dma_start3A_586 = tpu.memref_slice %arg5[%add3A_544, %dma_start3A_584, %dma_start3A_585] : memref<819200x2x32xf32, #tpu.memory_space<hbm>> -> memref<320x2x32xf32, #tpu.memory_space<hbm>>
      %dma_start3A_587 = arith.constant 0 : i32
      %dma_start3A_588 = arith.constant 0 : i32
      %dma_start3A_589 = tpu.memref_slice %dma_start3A_586[%dma_start3A_587, %dma_start3A_572, %dma_start3A_588] : memref<320x2x32xf32, #tpu.memory_space<hbm>> -> memref<320x1x32xf32, #tpu.memory_space<hbm>>
      %dma_start3A_590 = tpu.memref_squeeze %dma_start3A_589 : memref<320x1x32xf32, #tpu.memory_space<hbm>> -> memref<320x32xf32, #tpu.memory_space<hbm>>
      %dma_start3A_591 = arith.constant 0 : i32
      %dma_start3A_592 = arith.constant 0 : i32
      %dma_start3A_593 = tpu.memref_slice %arg7[%dma_start3A_570, %dma_start3A_571, %dma_start3A_591, %dma_start3A_592] : memref<4x2x320x32xf32, #tpu.memory_space<vmem>> -> memref<1x1x320x32xf32, #tpu.memory_space<vmem>>
      %dma_start3A_594 = tpu.memref_squeeze %dma_start3A_593 : memref<1x1x320x32xf32, #tpu.memory_space<vmem>> -> memref<320x32xf32, #tpu.memory_space<vmem>>
      tpu.enqueue_dma source(%dma_start3A_594 : memref<320x32xf32, #tpu.memory_space<vmem>>) target(%dma_start3A_590 : memref<320x32xf32, #tpu.memory_space<hbm>>) target_semaphore(%arg15 : memref<!tpu.dma_semaphore, #tpu.memory_space<semaphore_mem>>)
    }
    %scan3A_49 = arith.constant 20 : i32
    %add3A_50 = arith.constant 0 : i32
    %add3A_51 = arith.addi %mul3A_2, %add3A_50 : i32
    %dma_wait3A = arith.constant 0 : i32
    %dma_wait3A_52 = arith.constant 0 : i32
    %dma_wait3A_53 = arith.constant 0 : i32
    %dma_wait3A_54 = arith.constant 0 : i32
    %dma_wait3A_55 = arith.constant 0 : i32
    %dma_wait3A_56 = tpu.memref_slice %arg7[%dma_wait3A, %dma_wait3A_52, %dma_wait3A_54, %dma_wait3A_55] : memref<4x2x320x32xf32, #tpu.memory_space<vmem>> -> memref<1x1x320x32xf32, #tpu.memory_space<vmem>>
    %dma_wait3A_57 = tpu.memref_squeeze %dma_wait3A_56 : memref<1x1x320x32xf32, #tpu.memory_space<vmem>> -> memref<320x32xf32, #tpu.memory_space<vmem>>
    %dma_wait3A_58 = arith.constant 0 : i32
    %dma_wait3A_59 = arith.constant 0 : i32
    %dma_wait3A_60 = tpu.memref_slice %arg5[%add3A_51, %dma_wait3A_58, %dma_wait3A_59] : memref<819200x2x32xf32, #tpu.memory_space<hbm>> -> memref<320x2x32xf32, #tpu.memory_space<hbm>>
    %dma_wait3A_61 = arith.constant 0 : i32
    %dma_wait3A_62 = arith.constant 0 : i32
    %dma_wait3A_63 = tpu.memref_slice %dma_wait3A_60[%dma_wait3A_61, %dma_wait3A_53, %dma_wait3A_62] : memref<320x2x32xf32, #tpu.memory_space<hbm>> -> memref<320x1x32xf32, #tpu.memory_space<hbm>>
    %dma_wait3A_64 = tpu.memref_squeeze %dma_wait3A_63 : memref<320x1x32xf32, #tpu.memory_space<hbm>> -> memref<320x32xf32, #tpu.memory_space<hbm>>
    %dma_wait3A_65 = arith.constant 0 : i32
    %dma_wait3A_66 = arith.constant 0 : i32
    %dma_wait3A_67 = tpu.memref_slice %arg5[%add3A_51, %dma_wait3A_65, %dma_wait3A_66] : memref<819200x2x32xf32, #tpu.memory_space<hbm>> -> memref<320x2x32xf32, #tpu.memory_space<hbm>>
    %dma_wait3A_68 = arith.constant 0 : i32
    %dma_wait3A_69 = arith.constant 0 : i32
    %dma_wait3A_70 = tpu.memref_slice %dma_wait3A_67[%dma_wait3A_68, %dma_wait3A_53, %dma_wait3A_69] : memref<320x2x32xf32, #tpu.memory_space<hbm>> -> memref<320x1x32xf32, #tpu.memory_space<hbm>>
    %dma_wait3A_71 = tpu.memref_squeeze %dma_wait3A_70 : memref<320x1x32xf32, #tpu.memory_space<hbm>> -> memref<320x32xf32, #tpu.memory_space<hbm>>
    %dma_wait3A_72 = arith.constant 0 : i32
    %dma_wait3A_73 = arith.constant 0 : i32
    %dma_wait3A_74 = tpu.memref_slice %arg7[%dma_wait3A, %dma_wait3A_52, %dma_wait3A_72, %dma_wait3A_73] : memref<4x2x320x32xf32, #tpu.memory_space<vmem>> -> memref<1x1x320x32xf32, #tpu.memory_space<vmem>>
    %dma_wait3A_75 = tpu.memref_squeeze %dma_wait3A_74 : memref<1x1x320x32xf32, #tpu.memory_space<vmem>> -> memref<320x32xf32, #tpu.memory_space<vmem>>
    tpu.wait_dma2 semaphore(%arg12 : memref<!tpu.dma_semaphore, #tpu.memory_space<semaphore_mem>>) src(%dma_wait3A_75 : memref<320x32xf32, #tpu.memory_space<vmem>>) dst(%dma_wait3A_71 : memref<320x32xf32, #tpu.memory_space<hbm>>)
    %dma_wait3A_76 = arith.constant 0 : i32
    %dma_wait3A_77 = arith.constant 1 : i32
    %dma_wait3A_78 = arith.constant 1 : i32
    %dma_wait3A_79 = arith.constant 0 : i32
    %dma_wait3A_80 = arith.constant 0 : i32
    %dma_wait3A_81 = tpu.memref_slice %arg7[%dma_wait3A_76, %dma_wait3A_77, %dma_wait3A_79, %dma_wait3A_80] : memref<4x2x320x32xf32, #tpu.memory_space<vmem>> -> memref<1x1x320x32xf32, #tpu.memory_space<vmem>>
    %dma_wait3A_82 = tpu.memref_squeeze %dma_wait3A_81 : memref<1x1x320x32xf32, #tpu.memory_space<vmem>> -> memref<320x32xf32, #tpu.memory_space<vmem>>
    %dma_wait3A_83 = arith.constant 0 : i32
    %dma_wait3A_84 = arith.constant 0 : i32
    %dma_wait3A_85 = tpu.memref_slice %arg5[%add3A_51, %dma_wait3A_83, %dma_wait3A_84] : memref<819200x2x32xf32, #tpu.memory_space<hbm>> -> memref<320x2x32xf32, #tpu.memory_space<hbm>>
    %dma_wait3A_86 = arith.constant 0 : i32
    %dma_wait3A_87 = arith.constant 0 : i32
    %dma_wait3A_88 = tpu.memref_slice %dma_wait3A_85[%dma_wait3A_86, %dma_wait3A_78, %dma_wait3A_87] : memref<320x2x32xf32, #tpu.memory_space<hbm>> -> memref<320x1x32xf32, #tpu.memory_space<hbm>>
    %dma_wait3A_89 = tpu.memref_squeeze %dma_wait3A_88 : memref<320x1x32xf32, #tpu.memory_space<hbm>> -> memref<320x32xf32, #tpu.memory_space<hbm>>
    %dma_wait3A_90 = arith.constant 0 : i32
    %dma_wait3A_91 = arith.constant 0 : i32
    %dma_wait3A_92 = tpu.memref_slice %arg5[%add3A_51, %dma_wait3A_90, %dma_wait3A_91] : memref<819200x2x32xf32, #tpu.memory_space<hbm>> -> memref<320x2x32xf32, #tpu.memory_space<hbm>>
    %dma_wait3A_93 = arith.constant 0 : i32
    %dma_wait3A_94 = arith.constant 0 : i32
    %dma_wait3A_95 = tpu.memref_slice %dma_wait3A_92[%dma_wait3A_93, %dma_wait3A_78, %dma_wait3A_94] : memref<320x2x32xf32, #tpu.memory_space<hbm>> -> memref<320x1x32xf32, #tpu.memory_space<hbm>>
    %dma_wait3A_96 = tpu.memref_squeeze %dma_wait3A_95 : memref<320x1x32xf32, #tpu.memory_space<hbm>> -> memref<320x32xf32, #tpu.memory_space<hbm>>
    %dma_wait3A_97 = arith.constant 0 : i32
    %dma_wait3A_98 = arith.constant 0 : i32
    %dma_wait3A_99 = tpu.memref_slice %arg7[%dma_wait3A_76, %dma_wait3A_77, %dma_wait3A_97, %dma_wait3A_98] : memref<4x2x320x32xf32, #tpu.memory_space<vmem>> -> memref<1x1x320x32xf32, #tpu.memory_space<vmem>>
    %dma_wait3A_100 = tpu.memref_squeeze %dma_wait3A_99 : memref<1x1x320x32xf32, #tpu.memory_space<vmem>> -> memref<320x32xf32, #tpu.memory_space<vmem>>
    tpu.wait_dma2 semaphore(%arg12 : memref<!tpu.dma_semaphore, #tpu.memory_space<semaphore_mem>>) src(%dma_wait3A_100 : memref<320x32xf32, #tpu.memory_space<vmem>>) dst(%dma_wait3A_96 : memref<320x32xf32, #tpu.memory_space<hbm>>)
    %add3A_101 = arith.constant 0 : i32
    %add3A_102 = arith.addi %mul3A_2, %add3A_101 : i32
    %dma_wait3A_103 = arith.constant 1 : i32
    %dma_wait3A_104 = arith.constant 0 : i32
    %dma_wait3A_105 = arith.constant 0 : i32
    %dma_wait3A_106 = arith.constant 0 : i32
    %dma_wait3A_107 = arith.constant 0 : i32
    %dma_wait3A_108 = tpu.memref_slice %arg7[%dma_wait3A_103, %dma_wait3A_104, %dma_wait3A_106, %dma_wait3A_107] : memref<4x2x320x32xf32, #tpu.memory_space<vmem>> -> memref<1x1x320x32xf32, #tpu.memory_space<vmem>>
    %dma_wait3A_109 = tpu.memref_squeeze %dma_wait3A_108 : memref<1x1x320x32xf32, #tpu.memory_space<vmem>> -> memref<320x32xf32, #tpu.memory_space<vmem>>
    %dma_wait3A_110 = arith.constant 0 : i32
    %dma_wait3A_111 = arith.constant 0 : i32
    %dma_wait3A_112 = tpu.memref_slice %arg5[%add3A_102, %dma_wait3A_110, %dma_wait3A_111] : memref<819200x2x32xf32, #tpu.memory_space<hbm>> -> memref<320x2x32xf32, #tpu.memory_space<hbm>>
    %dma_wait3A_113 = arith.constant 0 : i32
    %dma_wait3A_114 = arith.constant 0 : i32
    %dma_wait3A_115 = tpu.memref_slice %dma_wait3A_112[%dma_wait3A_113, %dma_wait3A_105, %dma_wait3A_114] : memref<320x2x32xf32, #tpu.memory_space<hbm>> -> memref<320x1x32xf32, #tpu.memory_space<hbm>>
    %dma_wait3A_116 = tpu.memref_squeeze %dma_wait3A_115 : memref<320x1x32xf32, #tpu.memory_space<hbm>> -> memref<320x32xf32, #tpu.memory_space<hbm>>
    %dma_wait3A_117 = arith.constant 0 : i32
    %dma_wait3A_118 = arith.constant 0 : i32
    %dma_wait3A_119 = tpu.memref_slice %arg5[%add3A_102, %dma_wait3A_117, %dma_wait3A_118] : memref<819200x2x32xf32, #tpu.memory_space<hbm>> -> memref<320x2x32xf32, #tpu.memory_space<hbm>>
    %dma_wait3A_120 = arith.constant 0 : i32
    %dma_wait3A_121 = arith.constant 0 : i32
    %dma_wait3A_122 = tpu.memref_slice %dma_wait3A_119[%dma_wait3A_120, %dma_wait3A_105, %dma_wait3A_121] : memref<320x2x32xf32, #tpu.memory_space<hbm>> -> memref<320x1x32xf32, #tpu.memory_space<hbm>>
    %dma_wait3A_123 = tpu.memref_squeeze %dma_wait3A_122 : memref<320x1x32xf32, #tpu.memory_space<hbm>> -> memref<320x32xf32, #tpu.memory_space<hbm>>
    %dma_wait3A_124 = arith.constant 0 : i32
    %dma_wait3A_125 = arith.constant 0 : i32
    %dma_wait3A_126 = tpu.memref_slice %arg7[%dma_wait3A_103, %dma_wait3A_104, %dma_wait3A_124, %dma_wait3A_125] : memref<4x2x320x32xf32, #tpu.memory_space<vmem>> -> memref<1x1x320x32xf32, #tpu.memory_space<vmem>>
    %dma_wait3A_127 = tpu.memref_squeeze %dma_wait3A_126 : memref<1x1x320x32xf32, #tpu.memory_space<vmem>> -> memref<320x32xf32, #tpu.memory_space<vmem>>
    tpu.wait_dma2 semaphore(%arg13 : memref<!tpu.dma_semaphore, #tpu.memory_space<semaphore_mem>>) src(%dma_wait3A_127 : memref<320x32xf32, #tpu.memory_space<vmem>>) dst(%dma_wait3A_123 : memref<320x32xf32, #tpu.memory_space<hbm>>)
    %dma_wait3A_128 = arith.constant 1 : i32
    %dma_wait3A_129 = arith.constant 1 : i32
    %dma_wait3A_130 = arith.constant 1 : i32
    %dma_wait3A_131 = arith.constant 0 : i32
    %dma_wait3A_132 = arith.constant 0 : i32
    %dma_wait3A_133 = tpu.memref_slice %arg7[%dma_wait3A_128, %dma_wait3A_129, %dma_wait3A_131, %dma_wait3A_132] : memref<4x2x320x32xf32, #tpu.memory_space<vmem>> -> memref<1x1x320x32xf32, #tpu.memory_space<vmem>>
    %dma_wait3A_134 = tpu.memref_squeeze %dma_wait3A_133 : memref<1x1x320x32xf32, #tpu.memory_space<vmem>> -> memref<320x32xf32, #tpu.memory_space<vmem>>
    %dma_wait3A_135 = arith.constant 0 : i32
    %dma_wait3A_136 = arith.constant 0 : i32
    %dma_wait3A_137 = tpu.memref_slice %arg5[%add3A_102, %dma_wait3A_135, %dma_wait3A_136] : memref<819200x2x32xf32, #tpu.memory_space<hbm>> -> memref<320x2x32xf32, #tpu.memory_space<hbm>>
    %dma_wait3A_138 = arith.constant 0 : i32
    %dma_wait3A_139 = arith.constant 0 : i32
    %dma_wait3A_140 = tpu.memref_slice %dma_wait3A_137[%dma_wait3A_138, %dma_wait3A_130, %dma_wait3A_139] : memref<320x2x32xf32, #tpu.memory_space<hbm>> -> memref<320x1x32xf32, #tpu.memory_space<hbm>>
    %dma_wait3A_141 = tpu.memref_squeeze %dma_wait3A_140 : memref<320x1x32xf32, #tpu.memory_space<hbm>> -> memref<320x32xf32, #tpu.memory_space<hbm>>
    %dma_wait3A_142 = arith.constant 0 : i32
    %dma_wait3A_143 = arith.constant 0 : i32
    %dma_wait3A_144 = tpu.memref_slice %arg5[%add3A_102, %dma_wait3A_142, %dma_wait3A_143] : memref<819200x2x32xf32, #tpu.memory_space<hbm>> -> memref<320x2x32xf32, #tpu.memory_space<hbm>>
    %dma_wait3A_145 = arith.constant 0 : i32
    %dma_wait3A_146 = arith.constant 0 : i32
    %dma_wait3A_147 = tpu.memref_slice %dma_wait3A_144[%dma_wait3A_145, %dma_wait3A_130, %dma_wait3A_146] : memref<320x2x32xf32, #tpu.memory_space<hbm>> -> memref<320x1x32xf32, #tpu.memory_space<hbm>>
    %dma_wait3A_148 = tpu.memref_squeeze %dma_wait3A_147 : memref<320x1x32xf32, #tpu.memory_space<hbm>> -> memref<320x32xf32, #tpu.memory_space<hbm>>
    %dma_wait3A_149 = arith.constant 0 : i32
    %dma_wait3A_150 = arith.constant 0 : i32
    %dma_wait3A_151 = tpu.memref_slice %arg7[%dma_wait3A_128, %dma_wait3A_129, %dma_wait3A_149, %dma_wait3A_150] : memref<4x2x320x32xf32, #tpu.memory_space<vmem>> -> memref<1x1x320x32xf32, #tpu.memory_space<vmem>>
    %dma_wait3A_152 = tpu.memref_squeeze %dma_wait3A_151 : memref<1x1x320x32xf32, #tpu.memory_space<vmem>> -> memref<320x32xf32, #tpu.memory_space<vmem>>
    tpu.wait_dma2 semaphore(%arg13 : memref<!tpu.dma_semaphore, #tpu.memory_space<semaphore_mem>>) src(%dma_wait3A_152 : memref<320x32xf32, #tpu.memory_space<vmem>>) dst(%dma_wait3A_148 : memref<320x32xf32, #tpu.memory_space<hbm>>)
    %add3A_153 = arith.constant 0 : i32
    %add3A_154 = arith.addi %mul3A_2, %add3A_153 : i32
    %dma_wait3A_155 = arith.constant 2 : i32
    %dma_wait3A_156 = arith.constant 0 : i32
    %dma_wait3A_157 = arith.constant 0 : i32
    %dma_wait3A_158 = arith.constant 0 : i32
    %dma_wait3A_159 = arith.constant 0 : i32
    %dma_wait3A_160 = tpu.memref_slice %arg7[%dma_wait3A_155, %dma_wait3A_156, %dma_wait3A_158, %dma_wait3A_159] : memref<4x2x320x32xf32, #tpu.memory_space<vmem>> -> memref<1x1x320x32xf32, #tpu.memory_space<vmem>>
    %dma_wait3A_161 = tpu.memref_squeeze %dma_wait3A_160 : memref<1x1x320x32xf32, #tpu.memory_space<vmem>> -> memref<320x32xf32, #tpu.memory_space<vmem>>
    %dma_wait3A_162 = arith.constant 0 : i32
    %dma_wait3A_163 = arith.constant 0 : i32
    %dma_wait3A_164 = tpu.memref_slice %arg5[%add3A_154, %dma_wait3A_162, %dma_wait3A_163] : memref<819200x2x32xf32, #tpu.memory_space<hbm>> -> memref<320x2x32xf32, #tpu.memory_space<hbm>>
    %dma_wait3A_165 = arith.constant 0 : i32
    %dma_wait3A_166 = arith.constant 0 : i32
    %dma_wait3A_167 = tpu.memref_slice %dma_wait3A_164[%dma_wait3A_165, %dma_wait3A_157, %dma_wait3A_166] : memref<320x2x32xf32, #tpu.memory_space<hbm>> -> memref<320x1x32xf32, #tpu.memory_space<hbm>>
    %dma_wait3A_168 = tpu.memref_squeeze %dma_wait3A_167 : memref<320x1x32xf32, #tpu.memory_space<hbm>> -> memref<320x32xf32, #tpu.memory_space<hbm>>
    %dma_wait3A_169 = arith.constant 0 : i32
    %dma_wait3A_170 = arith.constant 0 : i32
    %dma_wait3A_171 = tpu.memref_slice %arg5[%add3A_154, %dma_wait3A_169, %dma_wait3A_170] : memref<819200x2x32xf32, #tpu.memory_space<hbm>> -> memref<320x2x32xf32, #tpu.memory_space<hbm>>
    %dma_wait3A_172 = arith.constant 0 : i32
    %dma_wait3A_173 = arith.constant 0 : i32
    %dma_wait3A_174 = tpu.memref_slice %dma_wait3A_171[%dma_wait3A_172, %dma_wait3A_157, %dma_wait3A_173] : memref<320x2x32xf32, #tpu.memory_space<hbm>> -> memref<320x1x32xf32, #tpu.memory_space<hbm>>
    %dma_wait3A_175 = tpu.memref_squeeze %dma_wait3A_174 : memref<320x1x32xf32, #tpu.memory_space<hbm>> -> memref<320x32xf32, #tpu.memory_space<hbm>>
    %dma_wait3A_176 = arith.constant 0 : i32
    %dma_wait3A_177 = arith.constant 0 : i32
    %dma_wait3A_178 = tpu.memref_slice %arg7[%dma_wait3A_155, %dma_wait3A_156, %dma_wait3A_176, %dma_wait3A_177] : memref<4x2x320x32xf32, #tpu.memory_space<vmem>> -> memref<1x1x320x32xf32, #tpu.memory_space<vmem>>
    %dma_wait3A_179 = tpu.memref_squeeze %dma_wait3A_178 : memref<1x1x320x32xf32, #tpu.memory_space<vmem>> -> memref<320x32xf32, #tpu.memory_space<vmem>>
    tpu.wait_dma2 semaphore(%arg14 : memref<!tpu.dma_semaphore, #tpu.memory_space<semaphore_mem>>) src(%dma_wait3A_179 : memref<320x32xf32, #tpu.memory_space<vmem>>) dst(%dma_wait3A_175 : memref<320x32xf32, #tpu.memory_space<hbm>>)
    %dma_wait3A_180 = arith.constant 2 : i32
    %dma_wait3A_181 = arith.constant 1 : i32
    %dma_wait3A_182 = arith.constant 1 : i32
    %dma_wait3A_183 = arith.constant 0 : i32
    %dma_wait3A_184 = arith.constant 0 : i32
    %dma_wait3A_185 = tpu.memref_slice %arg7[%dma_wait3A_180, %dma_wait3A_181, %dma_wait3A_183, %dma_wait3A_184] : memref<4x2x320x32xf32, #tpu.memory_space<vmem>> -> memref<1x1x320x32xf32, #tpu.memory_space<vmem>>
    %dma_wait3A_186 = tpu.memref_squeeze %dma_wait3A_185 : memref<1x1x320x32xf32, #tpu.memory_space<vmem>> -> memref<320x32xf32, #tpu.memory_space<vmem>>
    %dma_wait3A_187 = arith.constant 0 : i32
    %dma_wait3A_188 = arith.constant 0 : i32
    %dma_wait3A_189 = tpu.memref_slice %arg5[%add3A_154, %dma_wait3A_187, %dma_wait3A_188] : memref<819200x2x32xf32, #tpu.memory_space<hbm>> -> memref<320x2x32xf32, #tpu.memory_space<hbm>>
    %dma_wait3A_190 = arith.constant 0 : i32
    %dma_wait3A_191 = arith.constant 0 : i32
    %dma_wait3A_192 = tpu.memref_slice %dma_wait3A_189[%dma_wait3A_190, %dma_wait3A_182, %dma_wait3A_191] : memref<320x2x32xf32, #tpu.memory_space<hbm>> -> memref<320x1x32xf32, #tpu.memory_space<hbm>>
    %dma_wait3A_193 = tpu.memref_squeeze %dma_wait3A_192 : memref<320x1x32xf32, #tpu.memory_space<hbm>> -> memref<320x32xf32, #tpu.memory_space<hbm>>
    %dma_wait3A_194 = arith.constant 0 : i32
    %dma_wait3A_195 = arith.constant 0 : i32
    %dma_wait3A_196 = tpu.memref_slice %arg5[%add3A_154, %dma_wait3A_194, %dma_wait3A_195] : memref<819200x2x32xf32, #tpu.memory_space<hbm>> -> memref<320x2x32xf32, #tpu.memory_space<hbm>>
    %dma_wait3A_197 = arith.constant 0 : i32
    %dma_wait3A_198 = arith.constant 0 : i32
    %dma_wait3A_199 = tpu.memref_slice %dma_wait3A_196[%dma_wait3A_197, %dma_wait3A_182, %dma_wait3A_198] : memref<320x2x32xf32, #tpu.memory_space<hbm>> -> memref<320x1x32xf32, #tpu.memory_space<hbm>>
    %dma_wait3A_200 = tpu.memref_squeeze %dma_wait3A_199 : memref<320x1x32xf32, #tpu.memory_space<hbm>> -> memref<320x32xf32, #tpu.memory_space<hbm>>
    %dma_wait3A_201 = arith.constant 0 : i32
    %dma_wait3A_202 = arith.constant 0 : i32
    %dma_wait3A_203 = tpu.memref_slice %arg7[%dma_wait3A_180, %dma_wait3A_181, %dma_wait3A_201, %dma_wait3A_202] : memref<4x2x320x32xf32, #tpu.memory_space<vmem>> -> memref<1x1x320x32xf32, #tpu.memory_space<vmem>>
    %dma_wait3A_204 = tpu.memref_squeeze %dma_wait3A_203 : memref<1x1x320x32xf32, #tpu.memory_space<vmem>> -> memref<320x32xf32, #tpu.memory_space<vmem>>
    tpu.wait_dma2 semaphore(%arg14 : memref<!tpu.dma_semaphore, #tpu.memory_space<semaphore_mem>>) src(%dma_wait3A_204 : memref<320x32xf32, #tpu.memory_space<vmem>>) dst(%dma_wait3A_200 : memref<320x32xf32, #tpu.memory_space<hbm>>)
    %add3A_205 = arith.constant 0 : i32
    %add3A_206 = arith.addi %mul3A_2, %add3A_205 : i32
    %dma_wait3A_207 = arith.constant 3 : i32
    %dma_wait3A_208 = arith.constant 0 : i32
    %dma_wait3A_209 = arith.constant 0 : i32
    %dma_wait3A_210 = arith.constant 0 : i32
    %dma_wait3A_211 = arith.constant 0 : i32
    %dma_wait3A_212 = tpu.memref_slice %arg7[%dma_wait3A_207, %dma_wait3A_208, %dma_wait3A_210, %dma_wait3A_211] : memref<4x2x320x32xf32, #tpu.memory_space<vmem>> -> memref<1x1x320x32xf32, #tpu.memory_space<vmem>>
    %dma_wait3A_213 = tpu.memref_squeeze %dma_wait3A_212 : memref<1x1x320x32xf32, #tpu.memory_space<vmem>> -> memref<320x32xf32, #tpu.memory_space<vmem>>
    %dma_wait3A_214 = arith.constant 0 : i32
    %dma_wait3A_215 = arith.constant 0 : i32
    %dma_wait3A_216 = tpu.memref_slice %arg5[%add3A_206, %dma_wait3A_214, %dma_wait3A_215] : memref<819200x2x32xf32, #tpu.memory_space<hbm>> -> memref<320x2x32xf32, #tpu.memory_space<hbm>>
    %dma_wait3A_217 = arith.constant 0 : i32
    %dma_wait3A_218 = arith.constant 0 : i32
    %dma_wait3A_219 = tpu.memref_slice %dma_wait3A_216[%dma_wait3A_217, %dma_wait3A_209, %dma_wait3A_218] : memref<320x2x32xf32, #tpu.memory_space<hbm>> -> memref<320x1x32xf32, #tpu.memory_space<hbm>>
    %dma_wait3A_220 = tpu.memref_squeeze %dma_wait3A_219 : memref<320x1x32xf32, #tpu.memory_space<hbm>> -> memref<320x32xf32, #tpu.memory_space<hbm>>
    %dma_wait3A_221 = arith.constant 0 : i32
    %dma_wait3A_222 = arith.constant 0 : i32
    %dma_wait3A_223 = tpu.memref_slice %arg5[%add3A_206, %dma_wait3A_221, %dma_wait3A_222] : memref<819200x2x32xf32, #tpu.memory_space<hbm>> -> memref<320x2x32xf32, #tpu.memory_space<hbm>>
    %dma_wait3A_224 = arith.constant 0 : i32
    %dma_wait3A_225 = arith.constant 0 : i32
    %dma_wait3A_226 = tpu.memref_slice %dma_wait3A_223[%dma_wait3A_224, %dma_wait3A_209, %dma_wait3A_225] : memref<320x2x32xf32, #tpu.memory_space<hbm>> -> memref<320x1x32xf32, #tpu.memory_space<hbm>>
    %dma_wait3A_227 = tpu.memref_squeeze %dma_wait3A_226 : memref<320x1x32xf32, #tpu.memory_space<hbm>> -> memref<320x32xf32, #tpu.memory_space<hbm>>
    %dma_wait3A_228 = arith.constant 0 : i32
    %dma_wait3A_229 = arith.constant 0 : i32
    %dma_wait3A_230 = tpu.memref_slice %arg7[%dma_wait3A_207, %dma_wait3A_208, %dma_wait3A_228, %dma_wait3A_229] : memref<4x2x320x32xf32, #tpu.memory_space<vmem>> -> memref<1x1x320x32xf32, #tpu.memory_space<vmem>>
    %dma_wait3A_231 = tpu.memref_squeeze %dma_wait3A_230 : memref<1x1x320x32xf32, #tpu.memory_space<vmem>> -> memref<320x32xf32, #tpu.memory_space<vmem>>
    tpu.wait_dma2 semaphore(%arg15 : memref<!tpu.dma_semaphore, #tpu.memory_space<semaphore_mem>>) src(%dma_wait3A_231 : memref<320x32xf32, #tpu.memory_space<vmem>>) dst(%dma_wait3A_227 : memref<320x32xf32, #tpu.memory_space<hbm>>)
    %dma_wait3A_232 = arith.constant 3 : i32
    %dma_wait3A_233 = arith.constant 1 : i32
    %dma_wait3A_234 = arith.constant 1 : i32
    %dma_wait3A_235 = arith.constant 0 : i32
    %dma_wait3A_236 = arith.constant 0 : i32
    %dma_wait3A_237 = tpu.memref_slice %arg7[%dma_wait3A_232, %dma_wait3A_233, %dma_wait3A_235, %dma_wait3A_236] : memref<4x2x320x32xf32, #tpu.memory_space<vmem>> -> memref<1x1x320x32xf32, #tpu.memory_space<vmem>>
    %dma_wait3A_238 = tpu.memref_squeeze %dma_wait3A_237 : memref<1x1x320x32xf32, #tpu.memory_space<vmem>> -> memref<320x32xf32, #tpu.memory_space<vmem>>
    %dma_wait3A_239 = arith.constant 0 : i32
    %dma_wait3A_240 = arith.constant 0 : i32
    %dma_wait3A_241 = tpu.memref_slice %arg5[%add3A_206, %dma_wait3A_239, %dma_wait3A_240] : memref<819200x2x32xf32, #tpu.memory_space<hbm>> -> memref<320x2x32xf32, #tpu.memory_space<hbm>>
    %dma_wait3A_242 = arith.constant 0 : i32
    %dma_wait3A_243 = arith.constant 0 : i32
    %dma_wait3A_244 = tpu.memref_slice %dma_wait3A_241[%dma_wait3A_242, %dma_wait3A_234, %dma_wait3A_243] : memref<320x2x32xf32, #tpu.memory_space<hbm>> -> memref<320x1x32xf32, #tpu.memory_space<hbm>>
    %dma_wait3A_245 = tpu.memref_squeeze %dma_wait3A_244 : memref<320x1x32xf32, #tpu.memory_space<hbm>> -> memref<320x32xf32, #tpu.memory_space<hbm>>
    %dma_wait3A_246 = arith.constant 0 : i32
    %dma_wait3A_247 = arith.constant 0 : i32
    %dma_wait3A_248 = tpu.memref_slice %arg5[%add3A_206, %dma_wait3A_246, %dma_wait3A_247] : memref<819200x2x32xf32, #tpu.memory_space<hbm>> -> memref<320x2x32xf32, #tpu.memory_space<hbm>>
    %dma_wait3A_249 = arith.constant 0 : i32
    %dma_wait3A_250 = arith.constant 0 : i32
    %dma_wait3A_251 = tpu.memref_slice %dma_wait3A_248[%dma_wait3A_249, %dma_wait3A_234, %dma_wait3A_250] : memref<320x2x32xf32, #tpu.memory_space<hbm>> -> memref<320x1x32xf32, #tpu.memory_space<hbm>>
    %dma_wait3A_252 = tpu.memref_squeeze %dma_wait3A_251 : memref<320x1x32xf32, #tpu.memory_space<hbm>> -> memref<320x32xf32, #tpu.memory_space<hbm>>
    %dma_wait3A_253 = arith.constant 0 : i32
    %dma_wait3A_254 = arith.constant 0 : i32
    %dma_wait3A_255 = tpu.memref_slice %arg7[%dma_wait3A_232, %dma_wait3A_233, %dma_wait3A_253, %dma_wait3A_254] : memref<4x2x320x32xf32, #tpu.memory_space<vmem>> -> memref<1x1x320x32xf32, #tpu.memory_space<vmem>>
    %dma_wait3A_256 = tpu.memref_squeeze %dma_wait3A_255 : memref<1x1x320x32xf32, #tpu.memory_space<vmem>> -> memref<320x32xf32, #tpu.memory_space<vmem>>
    tpu.wait_dma2 semaphore(%arg15 : memref<!tpu.dma_semaphore, #tpu.memory_space<semaphore_mem>>) src(%dma_wait3A_256 : memref<320x32xf32, #tpu.memory_space<vmem>>) dst(%dma_wait3A_252 : memref<320x32xf32, #tpu.memory_space<hbm>>)
    return
  }
}

module attributes {stable_mosaic.version = 14 : i64} {
  func.func @_transpose_body(%arg0: i32, %arg1: memref<32x8192xf32, #tpu.memory_space<vmem>>, %arg2: memref<32x8192xf32, #tpu.memory_space<vmem>>, %arg3: memref<32x8192xf32, #tpu.memory_space<vmem>>, %arg4: memref<32x8192xf32, #tpu.memory_space<vmem>>, %arg5: memref<8192x128xf32, #tpu.memory_space<vmem>>) attributes {dimension_semantics = [#tpu.dimension_semantics<arbitrary>], iteration_bounds = array<i64: 31>, scalar_prefetch = 0 : i64, scratch_operands = 0 : i64, tpu.core_type = #tpu.core_type<tc>, window_params = [{transform_indices = @transform_0, window_bounds = array<i64: 32, 8192>}, {transform_indices = @transform_1, window_bounds = array<i64: 32, 8192>}, {transform_indices = @transform_2, window_bounds = array<i64: 32, 8192>}, {transform_indices = @transform_3, window_bounds = array<i64: 32, 8192>}, {transform_indices = @transform_4, window_bounds = array<i64: 8192, 128>}]} {
    %get3A = arith.constant 0 : index
    %get3A_0 = arith.constant 0 : index
    %get3A_1 = vector.load %arg1[%get3A, %get3A_0] : memref<32x8192xf32, #tpu.memory_space<vmem>>, vector<32x8192xf32>
    %get3A_2 = arith.constant 0 : index
    %get3A_3 = arith.constant 0 : index
    %get3A_4 = vector.load %arg2[%get3A_2, %get3A_3] : memref<32x8192xf32, #tpu.memory_space<vmem>>, vector<32x8192xf32>
    %get3A_5 = arith.constant 0 : index
    %get3A_6 = arith.constant 0 : index
    %get3A_7 = vector.load %arg3[%get3A_5, %get3A_6] : memref<32x8192xf32, #tpu.memory_space<vmem>>, vector<32x8192xf32>
    %get3A_8 = arith.constant 0 : index
    %get3A_9 = arith.constant 0 : index
    %get3A_10 = vector.load %arg4[%get3A_8, %get3A_9] : memref<32x8192xf32, #tpu.memory_space<vmem>>, vector<32x8192xf32>
    %concatenate3A = tpu.concatenate %get3A_1, %get3A_4, %get3A_7, %get3A_10 in 0 : vector<32x8192xf32>, vector<32x8192xf32>, vector<32x8192xf32>, vector<32x8192xf32> -> vector<128x8192xf32>
    %iota3A = tpu.iota {dimensions = array<i32: 0>} : vector<128x128xi32>
    %iota3A_11 = tpu.iota {dimensions = array<i32: 1>} : vector<128x128xi32>
    %add3A = arith.constant 0 : i32
    %add3A_12 = vector.broadcast %add3A : i32 to vector<128x128xi32>
    %add3A_13 = arith.addi %iota3A, %add3A_12 : vector<128x128xi32>
    %eq3A = arith.cmpi eq, %add3A_13, %iota3A_11 : vector<128x128xi32>
    %convert_element_type3A = arith.extui %eq3A : vector<128x128xi1> to vector<128x128xi32>
    %convert_element_type3A_14 = arith.sitofp %convert_element_type3A : vector<128x128xi32> to vector<128x128xf32>
    %dot_general3A = arith.constant dense<0.000000e+00> : vector<8192x128xf32>
    %dot_general3A_15 = tpu.matmul %concatenate3A, %convert_element_type3A_14, %dot_general3A {dimension_numbers = #tpu.dot_dimension_numbers<[0], [0], [1], [1], [0, 1, 1, 1], [], []>, transpose_lhs_hint = false} : vector<128x8192xf32>, vector<128x128xf32>, vector<8192x128xf32> -> vector<8192x128xf32>
    %swap3A = arith.constant 0 : index
    %swap3A_16 = arith.constant 0 : index
    %swap3A_17 = vector.load %arg5[%swap3A, %swap3A_16] : memref<8192x128xf32, #tpu.memory_space<vmem>>, vector<8192x128xf32>
    tpu.vector_store %arg5[%swap3A, %swap3A_16], %dot_general3A_15 {strides = array<i32>} : memref<8192x128xf32, #tpu.memory_space<vmem>>, vector<8192x128xf32>,
    return
  }
  func.func @transform_0(%arg0: i32) -> (i32, i32) {
    %add3A = arith.constant 0 : i32
    %add3A_0 = arith.addi %add3A, %arg0 : i32
    %min3A = arith.constant 122 : i32
    %min3A_1 = arith.minsi %add3A_0, %min3A : i32
    %c0_i32 = arith.constant 0 : i32
    %c0_i32_2 = arith.constant 0 : i32
    return %c0_i32, %min3A_1 : i32, i32
  }
  func.func @transform_1(%arg0: i32) -> (i32, i32) {
    %add3A = arith.constant 31 : i32
    %add3A_0 = arith.addi %add3A, %arg0 : i32
    %min3A = arith.constant 122 : i32
    %min3A_1 = arith.minsi %add3A_0, %min3A : i32
    %c0_i32 = arith.constant 0 : i32
    %c0_i32_2 = arith.constant 0 : i32
    return %c0_i32, %min3A_1 : i32, i32
  }
  func.func @transform_2(%arg0: i32) -> (i32, i32) {
    %add3A = arith.constant 62 : i32
    %add3A_0 = arith.addi %add3A, %arg0 : i32
    %min3A = arith.constant 122 : i32
    %min3A_1 = arith.minsi %add3A_0, %min3A : i32
    %c0_i32 = arith.constant 0 : i32
    %c0_i32_2 = arith.constant 0 : i32
    return %c0_i32, %min3A_1 : i32, i32
  }
  func.func @transform_3(%arg0: i32) -> (i32, i32) {
    %add3A = arith.constant 93 : i32
    %add3A_0 = arith.addi %add3A, %arg0 : i32
    %min3A = arith.constant 122 : i32
    %min3A_1 = arith.minsi %add3A_0, %min3A : i32
    %c0_i32 = arith.constant 0 : i32
    %c0_i32_2 = arith.constant 0 : i32
    return %c0_i32, %min3A_1 : i32, i32
  }
  func.func @transform_4(%arg0: i32) -> (i32, i32) {
    %c0_i32 = arith.constant 0 : i32
    %c0_i32_0 = arith.constant 0 : i32
    return %arg0, %c0_i32 : i32, i32
  }
}

</mosaic_0001>

<sc_bundles>
// kernel: kernel.5.cloned.1.call-start
scs
__scs_entry_jumppad:
0x0: {  	(pc) =	sbr.rel $0x88, $3  }
0x1: {  	(tag) =	ssettag $0x0;
	lr =	simm.s32 $0x1  }
0x2: {  	[smem:$0x3F9E] =	sst lr;
	_ =	strace $0xD0000000  }
0x3: {  	_ = 	snop  }
0x4: {  	_ = 	snop  }
0x5: {  	_ = 	snop  }
0x6: {  	_ = 	snop  }
0x7: {  	_ = 	snop  }
__scs_overlays_trampoline_lowered:
0x8: {  	[smem:$0x3FAD] =	sst s0  }
0x9: {  	[smem:$0x3FAE] =	sst s1  }
0xa: {  	[smem:$0x3FAF] =	sst s2  }
0xb: {  	[smem:$0x3FB0] =	sst s3  }
0xc: {  	[smem:$0x3FB1] =	sst s4  }
0xd: {  	[smem:$0x3FB2] =	sst s5  }
0xe: {  	[smem:$0x3FB3] =	sst s6  }
0xf: {  	[smem:$0x3FB4] =	sst s7  }
0x10: {  	[smem:$0x3FB5] =	sst s8  }
0x11: {  	[smem:$0x3FB6] =	sst s9;
	s0 =	simm.s32 @!p0 $0x0  }
0x12: {  	s1 =	sld [smem:$0x3F9C];
	s0 =	simm.s32 @p0 $0x1  }
0x13: {  	[smem:$0x3FB7] =	sst s0;
	s0 =	simm.s32 @!p1 $0x0  }
0x14: {  	s2 =	sld [smem:$0x3F9B];
	s0 =	simm.s32 @p1 $0x1  }
0x15: {  	[smem:$0x3FB8] =	sst s0;
	s0 =	simm.s32 @!p2 $0x0  }
0x16: {  	s3 =	sld [smem:$0x3FDB];
	s0 =	simm.s32 @p2 $0x1  }
0x17: {  	s4 =	simm.s32 $0x1BF5;
	[smem:$0x3FBA] =	sst s0  }
0x18: {  	s0 =	sld [smem:$0x3F9D];
	_ =	swait.ge [sflag:s4], $0x0  }
0x19: {  	s7 =	sld [smem:$0x3F9E]  }
0x1a: {  	s8 =	sadd.s32 $0xFFFFE003, lr  }
0x1b: {  	s9 =	sadd.s32 $0xFFFFFEF7, lr;
	s5 =	simm.s32 $0xFFFFFFFF;
	p2 =	slt.u32 s8, $0xFFFFF086  }
0x1c: {  	p1 =	slt.u32 s9, $0xF7A;
	s5 =	simm.s32 @!p2 $0x0  }
0x1d: {  	s5 =	simm.s32 @p1 $0x1;
	p0 =	seq.s32 s7, s2  }
0x1e: {  	s7 =	smul.u32 @!p0 $0xF7A, s2;
	p2 =	seq.s32 @!p0 s5, $0x0  }
0x1f: {  	s9 =	smul.u32 $0xF7A, s1;
	s8 =	simm.s32 @!p0 $0x1BF5;
	p2 =	por !p2, p0  }
0x20: {  	[sflag:s8] =	ssyncset.s32 @!p0 $0xFFFFF086;
	s6 =	sadd.s32 @!p0 s3, s7;
	s7 =	simm.s32 @!p0 $0x108  }
0x21: {  	s3 =	sadd.s32 s3, s9;
	s6 =	sadd.s32 @!p0 $0x88, s6;
	s7 =	simm.s32 @p2 $0x1082  }
0x22: {  	[simem:s7], [sflag:s8] =	dma.local @!p0 [hbm:s6], $0xF7A  }
0x23: {  	s9 =	sor.u32 $0xD0000000, s2;
	s6 =	simm.s32 $0x108;
	_ =	swait.ge @!p0 [sflag:s8], $0x0  }
0x24: {  	s3 =	sadd.s32 $0x88, s3;
	s6 =	simm.s32 @!p1 $0x1082;
	[sflag:s4] =	ssyncset.s32 $0xFFFFF086  }
0x25: {  	[simem:s6], [sflag:s4] =	dma.local [hbm:s3], $0xF7A  }
0x26: {  	[smem:$0x3F9E] =	sst s1;
	(tag) =	ssettag s2;
	_ =	strace s9  }
0x27: {  	s1 =	sld [smem:$0x3FAE]  }
0x28: {  	s2 =	sld [smem:$0x3FAF]  }
0x29: {  	s4 =	sld [smem:$0x3FB1]  }
0x2a: {  	p0 =	seq.s32 s5, $0x0;
	s5 =	sld [smem:$0x3FB2]  }
0x2b: {  	s6 =	sld [smem:$0x3FB3]  }
0x2c: {  	s7 =	sld [smem:$0x3FB4]  }
0x2d: {  	s3 =	simm.s32 $0x108;
	s8 =	sld [smem:$0x3FB5]  }
0x2e: {  	s3 =	simm.s32 @!p0 $0x1082;
	s9 =	sld [smem:$0x3FB6]  }
0x2f: {  	lr =	sadd.s32 s0, s3;
	s0 =	sld [smem:$0x3FAD]  }
0x30: {  	s3 =	sld [smem:$0x3FB0]  }
0x31: {  	[smem:$0x3FB9] =	sst s10  }
0x32: {  	s10 =	sld [smem:$0x3FB7];
	_ =	sdelay $0x3  }
0x33: {  	p0 =	seq.s32 s10, $0x1;
	s10 =	sld [smem:$0x3FB9];
	_ =	sdelay $0x3  }
0x34: {  	[smem:$0x3FB9] =	sst s10  }
0x35: {  	s10 =	sld [smem:$0x3FB8];
	_ =	sdelay $0x3  }
0x36: {  	p1 =	seq.s32 s10, $0x1;
	s10 =	sld [smem:$0x3FB9];
	_ =	sdelay $0x3  }
0x37: {  	[smem:$0x3FB9] =	sst s10  }
0x38: {  	s10 =	sld [smem:$0x3FBA]  }
0x39: {  	_ = 	snop;
	(pc) =	sbr.ind lr, $3  }
0x3a: {  	_ = 	snop  }
0x3b: {  	_ = 	snop  }
0x3c: {  	p2 =	seq.s32 s10, $0x1;
	s10 =	sld [smem:$0x3FB9]  }
0x3d: {  	_ =	shalt  }
0x3e: {  	_ =	shalt  }
0x3f: {  	_ =	shalt  }
0x40: {  	_ =	shalt  }
0x41: {  	_ =	shalt  }
0x42: {  	_ =	shalt  }
0x43: {  	_ =	shalt  }
0x44: {  	_ =	shalt  }
0x45: {  	_ =	shalt  }
0x46: {  	_ =	shalt  }
0x47: {  	_ =	shalt  }
0x48: {  	_ =	shalt  }
0x49: {  	_ =	shalt  }
0x4a: {  	_ =	shalt  }
0x4b: {  	_ =	shalt  }
0x4c: {  	_ =	shalt  }
0x4d: {  	_ =	shalt  }
0x4e: {  	_ =	shalt  }
0x4f: {  	_ =	shalt  }
0x50: {  	_ =	shalt  }
0x51: {  	_ =	shalt  }
0x52: {  	_ =	shalt  }
0x53: {  	_ =	shalt  }
0x54: {  	_ =	shalt  }
0x55: {  	_ =	shalt  }
0x56: {  	_ =	shalt  }
0x57: {  	_ =	shalt  }
0x58: {  	_ =	shalt  }
0x59: {  	_ =	shalt  }
0x5a: {  	_ =	shalt  }
0x5b: {  	_ =	shalt  }
0x5c: {  	_ =	shalt  }
0x5d: {  	_ =	shalt  }
0x5e: {  	_ =	shalt  }
0x5f: {  	_ =	shalt  }
0x60: {  	_ =	shalt  }
0x61: {  	_ =	shalt  }
0x62: {  	_ =	shalt  }
0x63: {  	_ =	shalt  }
0x64: {  	_ =	shalt  }
0x65: {  	_ =	shalt  }
0x66: {  	_ =	shalt  }
0x67: {  	_ =	shalt  }
0x68: {  	_ =	shalt  }
0x69: {  	_ =	shalt  }
0x6a: {  	_ =	shalt  }
0x6b: {  	_ =	shalt  }
0x6c: {  	_ =	shalt  }
0x6d: {  	_ =	shalt  }
0x6e: {  	_ =	shalt  }
0x6f: {  	_ =	shalt  }
0x70: {  	_ =	shalt  }
0x71: {  	_ =	shalt  }
0x72: {  	_ =	shalt  }
0x73: {  	_ =	shalt  }
0x74: {  	_ =	shalt  }
0x75: {  	_ =	shalt  }
0x76: {  	_ =	shalt  }
0x77: {  	_ =	shalt  }
0x78: {  	_ =	shalt  }
0x79: {  	_ =	shalt  }
0x7a: {  	_ =	shalt  }
0x7b: {  	_ =	shalt  }
0x7c: {  	_ =	shalt  }
0x7d: {  	_ =	shalt  }
0x7e: {  	_ =	shalt  }
0x7f: {  	_ =	shalt  }
0x80: {  	_ =	shalt  }
0x81: {  	_ =	shalt  }
0x82: {  	_ =	shalt  }
0x83: {  	_ =	shalt  }
0x84: {  	_ =	shalt  }
0x85: {  	_ =	shalt  }
0x86: {  	_ =	shalt  }
0x87: {  	_ =	shalt  }
.Lfunc_end0:
.L_simem_size_0:
called_computation.1_lowered:
.L_overlay_start_0:
0x88: {  	s2 =	sld [smem:$0x3FD9]  }
0x89: {  	s3 =	sld [smem:$0x3FFE];
	_ =	sdelay $0x1  }
0x8a: {  	s1 =	srdreg.scid  }
0x8b: {  	s0 =	sand.u32 $0x1, s1  }
0x8c: {  	s17 =	sshll.u32 s0, $0xA;
	s2 =	sadd.s32 s3, s2  }
0x8d: {  	s2 =	sadd.s32 s2, s17  }
0x8e: {  	[smem:$0x3FC5] =	sst s2  }
0x8f: {  	_ = 	snop  }
0x90: {  	s2 =	sld [smem:$0x3FD0];
	(tm) =	ssettm $0x1  }
0x91: {  	s18 =	sld [smem:$0x3FFB];
	_ =	sdelay $0x3  }
0x92: {  	_ =	strace s18  }
0x93: {  	s3 =	sld [smem:$0x3FFC];
	_ =	sdelay $0x3  }
0x94: {  	_ =	strace s3  }
0x95: {  	s3 =	sld [smem:$0x3FFD];
	_ =	sdelay $0x3  }
0x96: {  	_ =	strace s3  }
0x97: {  	_ =	strace $0x8FFFFFFF  }
0x98: {  	s19 =	sld [smem:$0x3FDB];
	_ =	sdelay $0x1  }
0x99: {  	s4 =	simm.s32 $_scs_section_size  }
0x9a: {  	s5 =	simm.s32 $_size__tile_overlayer_lowered;
	s6 =	simm.s32 $_tile_overlayer_lowered  }
0x9b: {  	s22 =	simm.s32 $0x1BFF;
	s21 =	sshll.u32 s6, $0x1;
	s3 =	sadd.s32 s4, s19  }
0x9c: {  	s7 =	simm.s32 $0x0;
	s20 =	sshll.u32 s5, $0x1;
	s5 =	sadd.s32 s21, s3  }
0x9d: {  	[timem:s7], [sflag:s22] =	dma.local [hbm:s5], s20  }
0x9e: {  	_ =	swait.ge [sflag:s22], s20  }
0x9f: {  	s4 =	ssub.s32 $0x0, s20;
	[sflag:s22] =	ssyncset.done $0x0  }
0xa0: {  	[sflag:s22] =	ssyncadd.s32 s4;
	_ =	sdelay $0x1  }
0xa1: {  	s23 =	simm.s32 $0x1B8B  }
0xa2: {  	_ =	swait.ge [sflag:s23], $0x1  }
0xa3: {  	[sflag:s23] =	ssyncset.done $0x0  }
0xa4: {  	s25 =	simm.s32 $0x1B8E;
	s24 =	sld [smem:$0x3FFE];
	[sflag:s23] =	ssyncadd.s32 $0xFFFFFFFF  }
0xa5: {  	s26 =	simm.s32 $execute0_lowered;
	[smem:$0x3FD2] =	sst s25  }
0xa6: {  	s5 =	sshll.u32 s26, $0x1;
	_ =	strace $0x80000046;
	[dreg:$0x1] =	wrdreg $0xFFFFFFFF  }
0xa7: {  	s28 =	simm.s32 $_size_execute0_lowered;
	s3 =	sadd.s32 s3, s5;
	[dreg:$0x0] =	wrdreg $0x0  }
0xa8: {  	s5 =	sshll.u32 s28, $0x1;
	[dreg:$0x2] =	wrdreg s3  }
0xa9: {  	[dreg:$0x3] =	wrdreg s5  }
0xaa: {  	[dreg:$0x4] =	wrdreg $0xC0  }
0xab: {  	_ =	task [dreg:s7], $0x5FFFF  }
0xac: {  	[dreg:$0x1] =	wrdreg $0xFFFFFFFF  }
0xad: {  	[dreg:$0x0] =	wrdreg $0x60  }
0xae: {  	[dreg:$0x2] =	wrdreg s24  }
0xaf: {  	[dreg:$0x3] =	wrdreg s2  }
0xb0: {  	[dreg:$0x4] =	wrdreg $0x9  }
0xb1: {  	_ =	task.clear_ibuf [dreg:s7], $0x5FFFF;
	_ =	strace $0x90000046  }
0xb2: {  	s29 =	simm.s32 $0x9;
	_ =	strace $0x80000048  }
0xb3: {  	_ =	swait.ge [sflag:s29], $0x1  }
0xb4: {  	[sflag:s29] =	ssyncadd.s32 $0xFFFFFFFF  }
0xb5: {  	_ =	strace $0x90000048  }
0xb6: {  	_ =	sfence  }
0xb7: {  	s30 =	sld [smem:$0x0];
	_ =	sdelay $0x2  }
0xb8: {  	s31 =	sshll.u32 s1, $0xD;
	s1 =	sshrl.u32 s1, $0x2  }
0xb9: {  	s3 =	sand.u32 $0x4000, s31;
	s1 =	sadd.s32 s1, s30  }
0xba: {  	s0 =	sor.u32 s3, s0;
	s1 =	sshll.u32 s1, $0x11  }
0xbb: {  	s0 =	sor.u32 s1, s0  }
0xbc: {  	s0 =	sadd.s32 $0x8F2B, s0  }
0xbd: {  	[sflag:s0] =	ssyncadd.remote.s32 $0x1  }
0xbe: {  	_ =	sfence.sel $0xFFFF  }
0xbf: {  	[dreg:$0x0] =	wrdreg $0xFFFFFFFF;
	(pc) =	sbr.abs _section_cstart, $3  }
0xc0: {  	[dreg:$0x1] =	wrdreg $0xFFFFFFFF  }
0xc1: {  	_ =	task.clear_ibuf [dreg:s7], $0x2FFFF;
	_ =	strace $0x9FFFFFFF  }
0xc2: {  	(tm) =	ssettm $0x7FFFFFFF  }
0xc3: {  	_ =	shalt  }
tec
execute0_lowered:
.L_overlay_start_1:
0x0: {  	(tag) =	ssettag $0x1  }
0x1: {  	s0 =	srdreg.scid;
	s1 =	rddreg [dreg:$0x0]  }
0x2: {  	s9 =	stileid.u32;
	s5 =	rddreg [dreg:$0x1]  }
0x3: {  	s3 =	simm.s32 $0x0;
	s12 =	simm.s32 $0x140;
	s13 =	simm.s32 $0x6400  }
0x4: {  	s14 =	simm.s32 $0x8C00;
	s15 =	simm.s32 $0xB400;
	s16 =	simm.s32 $0xDC00  }
0x5: {  	s17 =	simm.s32 $0x10400;
	s18 =	simm.s32 $0x12C00;
	s19 =	simm.s32 $0x1  }
0x6: {  	s20 =	simm.s32 $0x20;
	s21 =	simm.s32 $0x40;
	s22 =	simm.s32 $0x15400  }
0x7: {  	s31 =	simm.s32 $0x8;
	s0 =	sand.u32 $0x1, s0;
	s6 =	smul.u32 $0xC800, s9  }
0x8: {  	s2 =	sshll.u32 s9, $0x1;
	[smem:$0x7FF] =	sst s3;
	s24 =	smul.u32 $0x64000, s9  }
0x9: {  	s3 =	sadd.s32 $0x19800, s1;
	s2 =	sor.u32 s0, s2;
	s7 =	smul.u32 $0x6400, s0  }
0xa: {  	s4 =	sadd.s32 $0x3F9800, s1;
	s8 =	ssub.s32 $0x2, s0;
	s2 =	smul.u32 $0x6400, s2  }
0xb: {  	_ =	strace $0x80000047;
	s0 =	smul.u32 $0x32000, s0;
	s23 =	sshrl.u32 s8, $0x1  }
0xc: {  	s28 =	sadd.s32 s24, s5;
	s6 =	sadd.s32 s7, s6;
	s2 =	sshrl.u32 s2, $0x3  }
0xd: {  	s0 =	sadd.s32 s0, s28;
	s6 =	sshll.u32 s6, $0x3;
	s2 =	sadd.s32 s2, s1  }
0xe: {  	[dreg:$0x6] =	wrdreg s0;
	s1 =	ssub.s32 s8, s23;
	s2 =	sadd.s32 $0x800, s2  }
0xf: {  	s25 =	sadd.s32 s6, s5;
	s1 =	smax.u32 s1, $0x1;
	[dreg:$0x3] =	wrdreg s2  }
0x10: {  	s24 =	simm.s32 $0x2;
	s26 =	sadd.s32 $0xA00, s25;
	[dreg:$0x4] =	wrdreg s1  }
0x11: {  	s23 =	simm.s32 $0x17C00;
	s29 =	sadd.s32 $0x1E00, s25;
	[dreg:$0x5] =	wrdreg s26  }
0x12: {  	s30 =	sadd.s32 $0x1400, s25;
	s25 =	simm.s32 $0x3;
	[dreg:$0x7] =	wrdreg s29  }
0x13: {  	[dreg:$0x8] =	wrdreg s30;
	s26 =	simm.s32 $0x4;
	s1 =	simm.s32 $0x0  }
.LBB2_1:
0x14: {  	s0 =	simm.s32 $0x0;
	s2 =	rddreg [dreg:$0x3];
	s8 =	simm.s32 $0x9  }
0x15: {  	[tilespmem:s0], [sflag:$0x9] =	stream.linear.gather [hbm4b:s2+s0], $0x6400, $0x38;
	[tilespmem:$0x1A400] =	vst v63  }
0x16: {  	_ =	swait.ge [sflag:s8], $0x6400  }
0x17: {  	[sflag:s8] =	ssyncset.done $0x0  }
0x18: {  	[sflag:s8] =	ssyncadd.s32 $0xFFFF9C00  }
0x19: {  	[tilespmem:s13], [sflag:$0x1] =	stream.indirect.gather [hbm4b:s3+s12], $0x20, s0, s12, $0xb8;
	[tilespmem:$0x1A400] =	vst v63  }
0x1a: {  	p0 =	por $0x1, $0x1  }
0x1b: {  	[tilespmem:s14], [sflag:$0x1] =	stream.indirect.gather [hbm4b:s4+s12], $0x20, s0, s12, $0xb8;
	[tilespmem:$0x1A400] =	vst v63  }
0x1c: {  	p0 =	por p0, p0  }
0x1d: {  	[tilespmem:s15], [sflag:$0x2] =	stream.indirect.gather [hbm4b:s3+s12], $0x20, s12, s12, $0xb8;
	[tilespmem:$0x1A400] =	vst v63  }
0x1e: {  	s0 =	simm.s32 @!p0 $0x7  }
0x1f: {  	[tilespmem:s16], [sflag:$0x2] =	stream.indirect.gather [hbm4b:s4+s12], $0x20, s12, s12, $0xb8;
	[tilespmem:$0x1A400] =	vst v63  }
0x20: {  	_ =	swait.ge @!p0 [sflag:s0], $0x2800  }
0x21: {  	[sflag:s0] =	ssyncset.done @!p0 $0x0  }
0x22: {  	[sflag:s0] =	ssyncadd.s32 @!p0 $0xFFFFD800  }
0x23: {  	_ =	swait.ge @!p0 [sflag:s0], $0x2800  }
0x24: {  	[sflag:s0] =	ssyncset.done @!p0 $0x0  }
0x25: {  	s9 =	simm.s32 $0x280;
	[sflag:s0] =	ssyncadd.s32 @!p0 $0xFFFFD800  }
0x26: {  	[tilespmem:s17], [sflag:$0x3] =	stream.indirect.gather [hbm4b:s3+s12], $0x20, s9, s12, $0xb8;
	[tilespmem:$0x1A400] =	vst v63  }
0x27: {  	_ = 	snop  }
0x28: {  	[tilespmem:s18], [sflag:$0x3] =	stream.indirect.gather [hbm4b:s4+s12], $0x20, s9, s12, $0xb8;
	[tilespmem:$0x1A400] =	vst v63  }
0x29: {  	_ =	swait.ge [sflag:s19], $0x2800  }
0x2a: {  	[sflag:s19] =	ssyncset.done $0x0  }
0x2b: {  	[sflag:s19] =	ssyncadd.s32 $0xFFFFD800  }
0x2c: {  	_ =	swait.ge [sflag:s19], $0x2800  }
0x2d: {  	[sflag:s19] =	ssyncset.done $0x0  }
0x2e: {  	s9 =	rddreg [dreg:$0x6];
	[sflag:s19] =	ssyncadd.s32 $0xFFFFD800  }
0x2f: {  	[hbm4b:s9+s20] =	stream.strided.scatter [tilespmem:s13], [sflag:$0x5], $0x2800, s21, s20, $0x38;
	[tilespmem:$0x1A400] =	vst v63  }
0x30: {  	s2 =	simm.s32 @!p0 $0x8;
	s10 =	sadd.s32 $0x4, s9  }
0x31: {  	[hbm4b:s10+s20] =	stream.strided.scatter [tilespmem:s14], [sflag:$0x5], $0x2800, s21, s20, $0x38;
	[tilespmem:$0x1A400] =	vst v63  }
0x32: {  	_ =	swait.ge @!p0 [sflag:s2], $0x2800  }
0x33: {  	[sflag:s2] =	ssyncset.done @!p0 $0x0  }
0x34: {  	[sflag:s2] =	ssyncadd.s32 @!p0 $0xFFFFD800  }
0x35: {  	_ =	swait.ge @!p0 [sflag:s2], $0x2800  }
0x36: {  	[sflag:s2] =	ssyncset.done @!p0 $0x0  }
0x37: {  	s11 =	simm.s32 $0x3C0;
	[sflag:s2] =	ssyncadd.s32 @!p0 $0xFFFFD800  }
0x38: {  	[tilespmem:s22], [sflag:$0x4] =	stream.indirect.gather [hbm4b:s3+s12], $0x20, s11, s12, $0xb8;
	[tilespmem:$0x1A400] =	vst v63  }
0x39: {  	_ = 	snop  }
0x3a: {  	[tilespmem:s23], [sflag:$0x4] =	stream.indirect.gather [hbm4b:s4+s12], $0x20, s11, s12, $0xb8;
	[tilespmem:$0x1A400] =	vst v63  }
0x3b: {  	_ =	swait.ge [sflag:s24], $0x2800  }
0x3c: {  	[sflag:s24] =	ssyncset.done $0x0  }
0x3d: {  	[sflag:s24] =	ssyncadd.s32 $0xFFFFD800  }
0x3e: {  	_ =	swait.ge [sflag:s24], $0x2800  }
0x3f: {  	[sflag:s24] =	ssyncset.done $0x0  }
0x40: {  	p0 =	por $0x0, $0x0;
	s8 =	rddreg [dreg:$0x5];
	[sflag:s24] =	ssyncadd.s32 $0xFFFFD800  }
0x41: {  	[hbm4b:s8+s20] =	stream.strided.scatter [tilespmem:s15], [sflag:$0x6], $0x2800, s21, s20, $0x38;
	[tilespmem:$0x1A400] =	vst v63  }
0x42: {  	s0 =	simm.s32 @!p0 $0x5;
	s28 =	sadd.s32 $0x4, s8  }
0x43: {  	[hbm4b:s28+s20] =	stream.strided.scatter [tilespmem:s16], [sflag:$0x6], $0x2800, s21, s20, $0x38;
	[tilespmem:$0x1A400] =	vst v63  }
0x44: {  	_ =	swait.ge @!p0 [sflag:s0], $0x2800  }
0x45: {  	[sflag:s0] =	ssyncset.done @!p0 $0x0  }
0x46: {  	[sflag:s0] =	ssyncadd.s32 @!p0 $0xFFFFD800  }
0x47: {  	_ =	swait.ge @!p0 [sflag:s0], $0x2800  }
0x48: {  	s2 =	simm.s32 @!p0 $0x6400;
	[sflag:s0] =	ssyncset.done @!p0 $0x0  }
0x49: {  	s5 =	simm.s32 @!p0 $0x500;
	s6 =	simm.s32 @!p0 $0x140;
	[sflag:s0] =	ssyncadd.s32 @!p0 $0xFFFFD800  }
0x4a: {  	[tilespmem:s2], [sflag:$0x1] =	stream.indirect.gather @!p0 [hbm4b:s3+s6], $0x20, s5, s6, $0xb8;
	[tilespmem:$0x1A400] =	vst v63  }
0x4b: {  	s0 =	simm.s32 @!p0 $0x8C00  }
0x4c: {  	[tilespmem:s0], [sflag:$0x1] =	stream.indirect.gather @!p0 [hbm4b:s4+s6], $0x20, s5, s6, $0xb8;
	[tilespmem:$0x1A400] =	vst v63  }
0x4d: {  	_ =	swait.ge [sflag:s25], $0x2800  }
0x4e: {  	[sflag:s25] =	ssyncset.done $0x0  }
0x4f: {  	[sflag:s25] =	ssyncadd.s32 $0xFFFFD800  }
0x50: {  	_ =	swait.ge [sflag:s25], $0x2800  }
0x51: {  	[sflag:s25] =	ssyncset.done $0x0  }
0x52: {  	s10 =	rddreg [dreg:$0x8];
	[sflag:s25] =	ssyncadd.s32 $0xFFFFD800  }
0x53: {  	[hbm4b:s10+s20] =	stream.strided.scatter [tilespmem:s17], [sflag:$0x7], $0x2800, s21, s20, $0x38;
	[tilespmem:$0x1A400] =	vst v63  }
0x54: {  	s2 =	simm.s32 @!p0 $0x6;
	s29 =	sadd.s32 $0x4, s10  }
0x55: {  	[hbm4b:s29+s20] =	stream.strided.scatter [tilespmem:s18], [sflag:$0x7], $0x2800, s21, s20, $0x38;
	[tilespmem:$0x1A400] =	vst v63  }
0x56: {  	_ =	swait.ge @!p0 [sflag:s2], $0x2800  }
0x57: {  	[sflag:s2] =	ssyncset.done @!p0 $0x0  }
0x58: {  	[sflag:s2] =	ssyncadd.s32 @!p0 $0xFFFFD800  }
0x59: {  	_ =	swait.ge @!p0 [sflag:s2], $0x2800  }
0x5a: {  	[sflag:s2] =	ssyncset.done @!p0 $0x0  }
0x5b: {  	s0 =	simm.s32 @!p0 $0x640;
	s5 =	simm.s32 @!p0 $0xB400;
	[sflag:s2] =	ssyncadd.s32 @!p0 $0xFFFFD800  }
0x5c: {  	[tilespmem:s5], [sflag:$0x2] =	stream.indirect.gather @!p0 [hbm4b:s3+s6], $0x20, s0, s6, $0xb8;
	[tilespmem:$0x1A400] =	vst v63  }
0x5d: {  	s2 =	simm.s32 @!p0 $0xDC00  }
0x5e: {  	[tilespmem:s2], [sflag:$0x2] =	stream.indirect.gather @!p0 [hbm4b:s4+s6], $0x20, s0, s6, $0xb8;
	[tilespmem:$0x1A400] =	vst v63  }
0x5f: {  	_ =	swait.ge [sflag:s26], $0x2800  }
0x60: {  	p6 =	por $0x0, $0x0;
	s7 =	simm.s32 $0x2800;
	[sflag:s26] =	ssyncset.done $0x0  }
0x61: {  	s11 =	sadd.s32 $0x2800, s9;
	s5 =	sadd.s32 $0x2800, s10;
	[sflag:s26] =	ssyncadd.s32 $0xFFFFD800  }
0x62: {  	s6 =	simm.s32 $0x1400;
	p0 =	por p6, p6;
	_ =	swait.ge [sflag:s26], $0x2800  }
0x63: {  	s2 =	sadd.s32 $0x2800, s8;
	[sflag:s26] =	ssyncset.done $0x0;
	s30 =	rddreg [dreg:$0x7]  }
0x64: {  	[sflag:s26] =	ssyncadd.s32 $0xFFFFD800;
	s0 =	sadd.s32 $0x2800, s30;
	s10 =	sadd.s32 $0x4, s30  }
0x65: {  	[hbm4b:s30+s20] =	stream.strided.scatter [tilespmem:s22], [sflag:$0x8], $0x2800, s21, s20, $0x38;
	[tilespmem:$0x1A400] =	vst v63  }
.LBB2_2:
0x66: {  	p2 =	seq.s32 s7, $0x0;
	s28 =	simm.s32 @!p0 $0x7  }
0x67: {  	s9 =	smov.u32 s7;
	s7 =	sadd.s32 $0x1400, s7;
	s8 =	smov.u32 s0  }
0x68: {  	[hbm4b:s10+s20] =	stream.strided.scatter [tilespmem:s23], [sflag:$0x8], $0x2800, s21, s20, $0x38;
	[tilespmem:$0x1A400] =	vst v63  }
0x69: {  	p1 =	sne.s32 s7, $0x19000;
	_ =	swait.ge @!p0 [sflag:s28], $0x2800  }
0x6a: {  	[sflag:s28] =	ssyncset.done @!p0 $0x0  }
0x6b: {  	[sflag:s28] =	ssyncadd.s32 @!p0 $0xFFFFD800  }
0x6c: {  	_ =	swait.ge @!p0 [sflag:s28], $0x2800  }
0x6d: {  	s10 =	sshra.s32 s6, $0x2;
	[sflag:s28] =	ssyncset.done @!p0 $0x0  }
0x6e: {  	[sflag:s28] =	ssyncadd.s32 @!p0 $0xFFFFD800;
	s28 =	sadd.s32 $0x280, s10  }
0x6f: {  	[tilespmem:s17], [sflag:$0x3] =	stream.indirect.gather [hbm4b:s3+s12], $0x20, s28, s12, $0xb8;
	[tilespmem:$0x1A400] =	vst v63  }
0x70: {  	_ = 	snop  }
0x71: {  	[tilespmem:s18], [sflag:$0x3] =	stream.indirect.gather [hbm4b:s4+s12], $0x20, s28, s12, $0xb8;
	[tilespmem:$0x1A400] =	vst v63  }
0x72: {  	_ =	swait.ge [sflag:s19], $0x2800  }
0x73: {  	[sflag:s19] =	ssyncset.done $0x0  }
0x74: {  	[sflag:s19] =	ssyncadd.s32 $0xFFFFD800  }
0x75: {  	_ =	swait.ge [sflag:s19], $0x2800  }
0x76: {  	[sflag:s19] =	ssyncset.done $0x0  }
0x77: {  	[sflag:s19] =	ssyncadd.s32 $0xFFFFD800  }
0x78: {  	[hbm4b:s11+s20] =	stream.strided.scatter [tilespmem:s13], [sflag:$0x5], $0x2800, s21, s20, $0x38;
	[tilespmem:$0x1A400] =	vst v63  }
0x79: {  	s29 =	simm.s32 @!p0 $0x8;
	s28 =	sadd.s32 $0x4, s11  }
0x7a: {  	[hbm4b:s28+s20] =	stream.strided.scatter [tilespmem:s14], [sflag:$0x5], $0x2800, s21, s20, $0x38;
	[tilespmem:$0x1A400] =	vst v63  }
0x7b: {  	_ =	swait.ge @!p0 [sflag:s29], $0x2800  }
0x7c: {  	[sflag:s29] =	ssyncset.done @!p0 $0x0  }
0x7d: {  	[sflag:s29] =	ssyncadd.s32 @!p0 $0xFFFFD800  }
0x7e: {  	_ =	swait.ge @!p0 [sflag:s29], $0x2800  }
0x7f: {  	[sflag:s29] =	ssyncset.done @!p0 $0x0  }
0x80: {  	s10 =	sadd.s32 $0x3C0, s10;
	[sflag:s29] =	ssyncadd.s32 @!p0 $0xFFFFD800;
	p0 =	por p2, p2  }
0x81: {  	[tilespmem:s22], [sflag:$0x4] =	stream.indirect.gather [hbm4b:s3+s12], $0x20, s10, s12, $0xb8;
	[tilespmem:$0x1A400] =	vst v63  }
0x82: {  	_ = 	snop  }
0x83: {  	[tilespmem:s23], [sflag:$0x4] =	stream.indirect.gather [hbm4b:s4+s12], $0x20, s10, s12, $0xb8;
	[tilespmem:$0x1A400] =	vst v63  }
0x84: {  	_ =	swait.ge [sflag:s24], $0x2800  }
0x85: {  	[sflag:s24] =	ssyncset.done $0x0  }
0x86: {  	[sflag:s24] =	ssyncadd.s32 $0xFFFFD800  }
0x87: {  	_ =	swait.ge [sflag:s24], $0x2800  }
0x88: {  	[sflag:s24] =	ssyncset.done $0x0  }
0x89: {  	[sflag:s24] =	ssyncadd.s32 $0xFFFFD800  }
0x8a: {  	[hbm4b:s2+s20] =	stream.strided.scatter [tilespmem:s15], [sflag:$0x6], $0x2800, s21, s20, $0x38;
	[tilespmem:$0x1A400] =	vst v63  }
0x8b: {  	p2 =	seq.s32 s6, $0x17C00;
	s10 =	sadd.s32 $0x4, s2  }
0x8c: {  	[hbm4b:s10+s20] =	stream.strided.scatter [tilespmem:s16], [sflag:$0x6], $0x2800, s21, s20, $0x38;
	[tilespmem:$0x1A400] =	vst v63  }
0x8d: {  	s28 =	sshra.s32 @!p2 s6, $0x2;
	s6 =	smov.u32 s9;
	s10 =	simm.s32 @!p2 $0x5  }
0x8e: {  	_ =	swait.ge @!p2 [sflag:s10], $0x2800  }
0x8f: {  	[sflag:s10] =	ssyncset.done @!p2 $0x0  }
0x90: {  	[sflag:s10] =	ssyncadd.s32 @!p2 $0xFFFFD800  }
0x91: {  	s9 =	simm.s32 @!p2 $0x6400;
	_ =	swait.ge @!p2 [sflag:s10], $0x2800  }
0x92: {  	s30 =	simm.s32 @!p2 $0x140;
	s29 =	sadd.s32 @!p2 $0x500, s28;
	[sflag:s10] =	ssyncset.done @!p2 $0x0  }
0x93: {  	[sflag:s10] =	ssyncadd.s32 @!p2 $0xFFFFD800;
	s10 =	simm.s32 @!p2 $0x8C00  }
0x94: {  	[tilespmem:s9], [sflag:$0x1] =	stream.indirect.gather @!p2 [hbm4b:s3+s30], $0x20, s29, s30, $0xb8;
	[tilespmem:$0x1A400] =	vst v63  }
0x95: {  	_ = 	snop  }
0x96: {  	[tilespmem:s10], [sflag:$0x1] =	stream.indirect.gather @!p2 [hbm4b:s4+s30], $0x20, s29, s30, $0xb8;
	[tilespmem:$0x1A400] =	vst v63  }
0x97: {  	_ =	swait.ge [sflag:s25], $0x2800  }
0x98: {  	[sflag:s25] =	ssyncset.done $0x0  }
0x99: {  	[sflag:s25] =	ssyncadd.s32 $0xFFFFD800  }
0x9a: {  	_ =	swait.ge [sflag:s25], $0x2800  }
0x9b: {  	[sflag:s25] =	ssyncset.done $0x0  }
0x9c: {  	s9 =	sadd.s32 $0x4, s5;
	[sflag:s25] =	ssyncadd.s32 $0xFFFFD800  }
0x9d: {  	[hbm4b:s5+s20] =	stream.strided.scatter [tilespmem:s17], [sflag:$0x7], $0x2800, s21, s20, $0x38;
	[tilespmem:$0x1A400] =	vst v63  }
0x9e: {  	s10 =	simm.s32 @!p2 $0x6  }
0x9f: {  	[hbm4b:s9+s20] =	stream.strided.scatter [tilespmem:s18], [sflag:$0x7], $0x2800, s21, s20, $0x38;
	[tilespmem:$0x1A400] =	vst v63  }
0xa0: {  	_ =	swait.ge @!p2 [sflag:s10], $0x2800  }
0xa1: {  	[sflag:s10] =	ssyncset.done @!p2 $0x0  }
0xa2: {  	[sflag:s10] =	ssyncadd.s32 @!p2 $0xFFFFD800  }
0xa3: {  	_ =	swait.ge @!p2 [sflag:s10], $0x2800  }
0xa4: {  	s9 =	sadd.s32 @!p2 $0x640, s28;
	s28 =	simm.s32 @!p2 $0xB400;
	[sflag:s10] =	ssyncset.done @!p2 $0x0  }
0xa5: {  	[sflag:s10] =	ssyncadd.s32 @!p2 $0xFFFFD800;
	s10 =	simm.s32 @!p2 $0xDC00  }
0xa6: {  	[tilespmem:s28], [sflag:$0x2] =	stream.indirect.gather @!p2 [hbm4b:s3+s30], $0x20, s9, s30, $0xb8;
	[tilespmem:$0x1A400] =	vst v63  }
0xa7: {  	_ = 	snop  }
0xa8: {  	[tilespmem:s10], [sflag:$0x2] =	stream.indirect.gather @!p2 [hbm4b:s4+s30], $0x20, s9, s30, $0xb8;
	[tilespmem:$0x1A400] =	vst v63  }
0xa9: {  	_ =	swait.ge [sflag:s26], $0x2800  }
0xaa: {  	[sflag:s26] =	ssyncset.done $0x0  }
.Ltmp0:
0xab: {  	[sflag:s26] =	ssyncadd.s32 $0xFFFFD800;
	(pc) =	sbr.rel @p1 .LBB2_2-.Ltmp0, $4  }
0xac: {  	s5 =	sadd.s32 $0x2800, s5;
	_ =	swait.ge [sflag:s26], $0x2800  }
0xad: {  	s0 =	sadd.s32 $0x2800, s0;
	s11 =	sadd.s32 $0x2800, s11;
	[sflag:s26] =	ssyncset.done $0x0  }
0xae: {  	s2 =	sadd.s32 $0x2800, s2;
	s10 =	sadd.s32 $0x4, s8;
	[sflag:s26] =	ssyncadd.s32 $0xFFFFD800  }
0xaf: {  	[hbm4b:s8+s20] =	stream.strided.scatter [tilespmem:s22], [sflag:$0x8], $0x2800, s21, s20, $0x38;
	[tilespmem:$0x1A400] =	vst v63  }
0xb0: {  	s7 =	simm.s32 @!p0 $0x7  }
0xb1: {  	[hbm4b:s10+s20] =	stream.strided.scatter [tilespmem:s23], [sflag:$0x8], $0x2800, s21, s20, $0x38;
	[tilespmem:$0x1A400] =	vst v63  }
0xb2: {  	_ =	swait.ge @!p0 [sflag:s7], $0x2800  }
0xb3: {  	[sflag:s7] =	ssyncset.done @!p0 $0x0  }
0xb4: {  	[sflag:s7] =	ssyncadd.s32 @!p0 $0xFFFFD800  }
0xb5: {  	_ =	swait.ge @!p0 [sflag:s7], $0x2800  }
0xb6: {  	s8 =	sshra.s32 s6, $0x2;
	[sflag:s7] =	ssyncset.done @!p0 $0x0  }
0xb7: {  	s28 =	sadd.s32 $0x280, s8;
	[sflag:s7] =	ssyncadd.s32 @!p0 $0xFFFFD800  }
0xb8: {  	[tilespmem:s17], [sflag:$0x3] =	stream.indirect.gather [hbm4b:s3+s12], $0x20, s28, s12, $0xb8;
	[tilespmem:$0x1A400] =	vst v63  }
0xb9: {  	_ = 	snop  }
0xba: {  	[tilespmem:s18], [sflag:$0x3] =	stream.indirect.gather [hbm4b:s4+s12], $0x20, s28, s12, $0xb8;
	[tilespmem:$0x1A400] =	vst v63  }
0xbb: {  	_ =	swait.ge [sflag:s19], $0x2800  }
0xbc: {  	[sflag:s19] =	ssyncset.done $0x0  }
0xbd: {  	[sflag:s19] =	ssyncadd.s32 $0xFFFFD800  }
0xbe: {  	_ =	swait.ge [sflag:s19], $0x2800  }
0xbf: {  	[sflag:s19] =	ssyncset.done $0x0  }
0xc0: {  	[sflag:s19] =	ssyncadd.s32 $0xFFFFD800  }
0xc1: {  	[hbm4b:s11+s20] =	stream.strided.scatter [tilespmem:s13], [sflag:$0x5], $0x2800, s21, s20, $0x38;
	[tilespmem:$0x1A400] =	vst v63  }
0xc2: {  	s29 =	sadd.s32 $0x4, s11;
	s7 =	simm.s32 @!p0 $0x8  }
0xc3: {  	[hbm4b:s29+s20] =	stream.strided.scatter [tilespmem:s14], [sflag:$0x5], $0x2800, s21, s20, $0x38;
	[tilespmem:$0x1A400] =	vst v63  }
0xc4: {  	_ =	swait.ge @!p0 [sflag:s7], $0x2800  }
0xc5: {  	[sflag:s7] =	ssyncset.done @!p0 $0x0  }
0xc6: {  	[sflag:s7] =	ssyncadd.s32 @!p0 $0xFFFFD800  }
0xc7: {  	_ =	swait.ge @!p0 [sflag:s7], $0x2800  }
0xc8: {  	[sflag:s7] =	ssyncset.done @!p0 $0x0  }
0xc9: {  	s30 =	sadd.s32 $0x3C0, s8;
	[sflag:s7] =	ssyncadd.s32 @!p0 $0xFFFFD800  }
0xca: {  	[tilespmem:s22], [sflag:$0x4] =	stream.indirect.gather [hbm4b:s3+s12], $0x20, s30, s12, $0xb8;
	[tilespmem:$0x1A400] =	vst v63  }
0xcb: {  	_ = 	snop  }
0xcc: {  	[tilespmem:s23], [sflag:$0x4] =	stream.indirect.gather [hbm4b:s4+s12], $0x20, s30, s12, $0xb8;
	[tilespmem:$0x1A400] =	vst v63  }
0xcd: {  	_ =	swait.ge [sflag:s24], $0x2800  }
0xce: {  	[sflag:s24] =	ssyncset.done $0x0  }
0xcf: {  	[sflag:s24] =	ssyncadd.s32 $0xFFFFD800  }
0xd0: {  	_ =	swait.ge [sflag:s24], $0x2800  }
0xd1: {  	[sflag:s24] =	ssyncset.done $0x0  }
0xd2: {  	p0 =	seq.s32 s6, $0x17C00;
	[sflag:s24] =	ssyncadd.s32 $0xFFFFD800  }
0xd3: {  	[hbm4b:s2+s20] =	stream.strided.scatter [tilespmem:s15], [sflag:$0x6], $0x2800, s21, s20, $0x38;
	[tilespmem:$0x1A400] =	vst v63  }
0xd4: {  	s8 =	sadd.s32 $0x4, s2;
	s2 =	simm.s32 @!p0 $0x5  }
0xd5: {  	[hbm4b:s8+s20] =	stream.strided.scatter [tilespmem:s16], [sflag:$0x6], $0x2800, s21, s20, $0x38;
	[tilespmem:$0x1A400] =	vst v63  }
0xd6: {  	_ =	swait.ge @!p0 [sflag:s2], $0x2800  }
0xd7: {  	[sflag:s2] =	ssyncset.done @!p0 $0x0  }
0xd8: {  	[sflag:s2] =	ssyncadd.s32 @!p0 $0xFFFFD800  }
0xd9: {  	_ =	swait.ge @!p0 [sflag:s2], $0x2800  }
0xda: {  	s6 =	sshra.s32 @!p0 s6, $0x2;
	s7 =	simm.s32 @!p0 $0x6400;
	[sflag:s2] =	ssyncset.done @!p0 $0x0  }
0xdb: {  	s8 =	sadd.s32 @!p0 $0x500, s6;
	[sflag:s2] =	ssyncadd.s32 @!p0 $0xFFFFD800;
	s2 =	simm.s32 @!p0 $0x140  }
0xdc: {  	[tilespmem:s7], [sflag:$0x1] =	stream.indirect.gather @!p0 [hbm4b:s3+s2], $0x20, s8, s2, $0xb8;
	[tilespmem:$0x1A400] =	vst v63  }
0xdd: {  	s7 =	simm.s32 @!p0 $0x8C00  }
0xde: {  	[tilespmem:s7], [sflag:$0x1] =	stream.indirect.gather @!p0 [hbm4b:s4+s2], $0x20, s8, s2, $0xb8;
	[tilespmem:$0x1A400] =	vst v63  }
0xdf: {  	_ =	swait.ge [sflag:s25], $0x2800  }
0xe0: {  	[sflag:s25] =	ssyncset.done $0x0  }
0xe1: {  	[sflag:s25] =	ssyncadd.s32 $0xFFFFD800  }
0xe2: {  	_ =	swait.ge [sflag:s25], $0x2800  }
0xe3: {  	[sflag:s25] =	ssyncset.done $0x0  }
0xe4: {  	[sflag:s25] =	ssyncadd.s32 $0xFFFFD800  }
0xe5: {  	[hbm4b:s5+s20] =	stream.strided.scatter [tilespmem:s17], [sflag:$0x7], $0x2800, s21, s20, $0x38;
	[tilespmem:$0x1A400] =	vst v63  }
0xe6: {  	s9 =	sadd.s32 $0x4, s5;
	s5 =	simm.s32 @!p0 $0x6  }
0xe7: {  	[hbm4b:s9+s20] =	stream.strided.scatter [tilespmem:s18], [sflag:$0x7], $0x2800, s21, s20, $0x38;
	[tilespmem:$0x1A400] =	vst v63  }
0xe8: {  	_ =	swait.ge @!p0 [sflag:s5], $0x2800  }
0xe9: {  	[sflag:s5] =	ssyncset.done @!p0 $0x0  }
0xea: {  	[sflag:s5] =	ssyncadd.s32 @!p0 $0xFFFFD800  }
0xeb: {  	_ =	swait.ge @!p0 [sflag:s5], $0x2800  }
0xec: {  	[sflag:s5] =	ssyncset.done @!p0 $0x0  }
0xed: {  	s6 =	sadd.s32 @!p0 $0x640, s6;
	[sflag:s5] =	ssyncadd.s32 @!p0 $0xFFFFD800;
	s5 =	simm.s32 @!p0 $0xB400  }
0xee: {  	[tilespmem:s5], [sflag:$0x2] =	stream.indirect.gather @!p0 [hbm4b:s3+s2], $0x20, s6, s2, $0xb8;
	[tilespmem:$0x1A400] =	vst v63  }
0xef: {  	s5 =	simm.s32 @!p0 $0xDC00  }
0xf0: {  	[tilespmem:s5], [sflag:$0x2] =	stream.indirect.gather @!p0 [hbm4b:s4+s2], $0x20, s6, s2, $0xb8;
	[tilespmem:$0x1A400] =	vst v63  }
0xf1: {  	_ =	swait.ge [sflag:s26], $0x2800  }
0xf2: {  	[sflag:s26] =	ssyncset.done $0x0  }
0xf3: {  	[sflag:s26] =	ssyncadd.s32 $0xFFFFD800  }
0xf4: {  	_ =	swait.ge [sflag:s26], $0x2800  }
0xf5: {  	[sflag:s26] =	ssyncset.done $0x0  }
0xf6: {  	[sflag:s26] =	ssyncadd.s32 $0xFFFFD800  }
0xf7: {  	[hbm4b:s0+s20] =	stream.strided.scatter [tilespmem:s22], [sflag:$0x8], $0x2800, s21, s20, $0x38;
	[tilespmem:$0x1A400] =	vst v63  }
0xf8: {  	s10 =	sadd.s32 $0x4, s0;
	s11 =	simm.s32 $0x5  }
0xf9: {  	[hbm4b:s10+s20] =	stream.strided.scatter [tilespmem:s23], [sflag:$0x8], $0x2800, s21, s20, $0x38;
	[tilespmem:$0x1A400] =	vst v63  }
0xfa: {  	_ =	swait.ge [sflag:s11], $0x2800  }
0xfb: {  	[sflag:s11] =	ssyncset.done $0x0  }
0xfc: {  	[sflag:s11] =	ssyncadd.s32 $0xFFFFD800  }
0xfd: {  	_ =	swait.ge [sflag:s11], $0x2800  }
0xfe: {  	[sflag:s11] =	ssyncset.done $0x0  }
0xff: {  	s28 =	simm.s32 $0x6;
	[sflag:s11] =	ssyncadd.s32 $0xFFFFD800  }
0x100: {  	_ =	swait.ge [sflag:s28], $0x2800  }
0x101: {  	[sflag:s28] =	ssyncset.done $0x0  }
0x102: {  	[sflag:s28] =	ssyncadd.s32 $0xFFFFD800  }
0x103: {  	_ =	swait.ge [sflag:s28], $0x2800  }
0x104: {  	[sflag:s28] =	ssyncset.done $0x0  }
0x105: {  	s29 =	simm.s32 $0x7;
	[sflag:s28] =	ssyncadd.s32 $0xFFFFD800  }
0x106: {  	_ =	swait.ge [sflag:s29], $0x2800  }
0x107: {  	[sflag:s29] =	ssyncset.done $0x0  }
0x108: {  	[sflag:s29] =	ssyncadd.s32 $0xFFFFD800  }
0x109: {  	_ =	swait.ge [sflag:s29], $0x2800  }
0x10a: {  	[sflag:s29] =	ssyncset.done $0x0  }
0x10b: {  	[sflag:s29] =	ssyncadd.s32 $0xFFFFD800  }
0x10c: {  	_ =	swait.ge [sflag:s31], $0x2800  }
0x10d: {  	[sflag:s31] =	ssyncset.done $0x0  }
0x10e: {  	[sflag:s31] =	ssyncadd.s32 $0xFFFFD800  }
0x10f: {  	_ =	swait.ge [sflag:s31], $0x2800  }
0x110: {  	s1 =	sadd.s32 $0x1, s1;
	s30 =	rddreg [dreg:$0x4]  }
0x111: {  	p0 =	sne.s32 s1, s30  }
.Ltmp1:
0x112: {  	_ = 	snop;
	(pc) =	sbr.rel @p0 .LBB2_1-.Ltmp1, $3  }
0x113: {  	_ =	sdelay $0x1  }
0x114: {  	[sflag:s31] =	ssyncset.done $0x0  }
0x115: {  	[sflag:s31] =	ssyncadd.s32 $0xFFFFD800  }
0x116: {  	_ =	sfence.sel $0x180000  }
0x117: {  	[bflag:$0x0] =	sbarrier.arrive $0xFFFF  }
0x118: {  	_ =	strace $0x90000047  }
0x119: {  	s0 =	stileid.u32;
	[bflag:$0x2] =	sbarrier.arrive $0xFFFF  }
0x11a: {  	p0 =	sne.s32 s0, $0x0;
	s0 =	rddreg [dreg:$0x2]  }
0x11b: {  	s0 =	sadd.s32 @!p0 $0x100000, s0  }
0x11c: {  	[sflag:s0] =	ssyncadd.tile.s32 @!p0 $0x1;
	_ =	shalt  }
.Lfunc_end2:
_tile_overlayer_lowered:
.L_overlay_start_2:
0x11d: {  	(tag) =	ssettag $0x2  }
0x11e: {  	s0 =	rddreg [dreg:$0x0];
	s2 =	stileid.u32  }
0x11f: {  	s1 =	rddreg [dreg:$0x1];
	p0 =	sne.s32 s2, $0x0  }
0x120: {  	s3 =	rddreg [dreg:$0x2];
	[bflag:$0x3] =	sbarrier.arrive $0xFFFF;
	s2 =	simm.s32 @!p0 $0x1C09  }
0x121: {  	[timem:s3], [sflag:s2] =	dma.local @!p0 [hbm:s0], s1  }
0x122: {  	s0 =	simm.s32 @!p0 $0x9  }
0x123: {  	_ =	swait.ge @!p0 [sflag:s0], s1  }
0x124: {  	s1 =	ssub.s32 @!p0 $0x0, s1;
	[sflag:s0] =	ssyncset.done @!p0 $0x0  }
0x125: {  	[sflag:s0] =	ssyncadd.s32 @!p0 s1  }
0x126: {  	[bflag:$0x3] =	sbarrier.arrive $0xFFFF  }
0x127: {  	_ =	shalt  }

// kernel: sparse-core-data-format-call.cloned.1.call-start
scs
called_computation_lowered:
.L_overlay_start_0:
0x0: {  	s2 =	sld [smem:$0x3FD9]  }
0x1: {  	s3 =	sld [smem:$0x3FFE];
	_ =	sdelay $0x1  }
0x2: {  	s1 =	srdreg.scid  }
0x3: {  	s0 =	sand.u32 $0x1, s1  }
0x4: {  	s18 =	sshll.u32 s0, $0xA;
	s2 =	sadd.s32 s3, s2  }
0x5: {  	s2 =	sadd.s32 s2, s18  }
0x6: {  	[smem:$0x3FC5] =	sst s2  }
0x7: {  	_ = 	snop  }
0x8: {  	s2 =	sld [smem:$0x3FD0];
	(tm) =	ssettm $0x1  }
0x9: {  	s19 =	sld [smem:$0x3FFB];
	_ =	sdelay $0x3  }
0xa: {  	_ =	strace s19  }
0xb: {  	s3 =	sld [smem:$0x3FFC];
	_ =	sdelay $0x3  }
0xc: {  	_ =	strace s3  }
0xd: {  	s3 =	sld [smem:$0x3FFD];
	_ =	sdelay $0x3  }
0xe: {  	_ =	strace s3  }
0xf: {  	_ =	strace $0x8FFFFFFF  }
0x10: {  	s20 =	sld [smem:$0x3FDB];
	_ =	sdelay $0x1  }
0x11: {  	s4 =	simm.s32 $_scs_section_size  }
0x12: {  	s5 =	simm.s32 $_size__tile_overlayer_lowered;
	s6 =	simm.s32 $_tile_overlayer_lowered  }
0x13: {  	s23 =	simm.s32 $0x1BFF;
	s22 =	sshll.u32 s6, $0x1;
	s3 =	sadd.s32 s4, s20  }
0x14: {  	s7 =	simm.s32 $0x0;
	s21 =	sshll.u32 s5, $0x1;
	s5 =	sadd.s32 s22, s3  }
0x15: {  	[timem:s7], [sflag:s23] =	dma.local [hbm:s5], s21  }
0x16: {  	_ =	swait.ge [sflag:s23], s21  }
0x17: {  	s4 =	ssub.s32 $0x0, s21;
	[sflag:s23] =	ssyncset.done $0x0  }
0x18: {  	[sflag:s23] =	ssyncadd.s32 s4;
	_ =	sdelay $0x1  }
0x19: {  	s24 =	simm.s32 $0x1B8B  }
0x1a: {  	_ =	swait.ge [sflag:s24], $0x1  }
0x1b: {  	[sflag:s24] =	ssyncset.done $0x0  }
0x1c: {  	s26 =	simm.s32 $0x1B8E;
	s25 =	sld [smem:$0x3FFE];
	[sflag:s24] =	ssyncadd.s32 $0xFFFFFFFF  }
0x1d: {  	s27 =	simm.s32 $execute0_lowered;
	[smem:$0x3FD2] =	sst s26  }
0x1e: {  	s5 =	sshll.u32 s27, $0x1;
	_ =	strace $0x80000049;
	[dreg:$0x1] =	wrdreg $0xFFFFFFFF  }
0x1f: {  	s28 =	simm.s32 $_size_execute0_lowered;
	s3 =	sadd.s32 s3, s5;
	[dreg:$0x0] =	wrdreg $0x0  }
0x20: {  	s5 =	sshll.u32 s28, $0x1;
	[dreg:$0x2] =	wrdreg s3  }
0x21: {  	[dreg:$0x3] =	wrdreg s5  }
0x22: {  	[dreg:$0x4] =	wrdreg $0xC0  }
0x23: {  	_ =	task [dreg:s7], $0x5FFFF  }
0x24: {  	[dreg:$0x1] =	wrdreg $0xFFFFFFFF  }
0x25: {  	[dreg:$0x0] =	wrdreg $0x60  }
0x26: {  	[dreg:$0x2] =	wrdreg s25  }
0x27: {  	[dreg:$0x3] =	wrdreg s2  }
0x28: {  	[dreg:$0x4] =	wrdreg $0x9  }
0x29: {  	_ =	task.clear_ibuf [dreg:s7], $0x5FFFF;
	_ =	strace $0x90000049  }
0x2a: {  	s29 =	simm.s32 $0x9;
	_ =	strace $0x8000004B  }
0x2b: {  	_ =	swait.ge [sflag:s29], $0x1  }
0x2c: {  	[sflag:s29] =	ssyncadd.s32 $0xFFFFFFFF  }
0x2d: {  	_ =	strace $0x9000004B  }
0x2e: {  	_ =	sfence  }
0x2f: {  	s30 =	sld [smem:$0x0];
	_ =	sdelay $0x2  }
0x30: {  	s31 =	sshll.u32 s1, $0xD;
	s1 =	sshrl.u32 s1, $0x2  }
0x31: {  	s3 =	sand.u32 $0x4000, s31;
	s1 =	sadd.s32 s1, s30  }
0x32: {  	s0 =	sor.u32 s3, s0;
	s1 =	sshll.u32 s1, $0x11  }
0x33: {  	s0 =	sor.u32 s1, s0  }
0x34: {  	s0 =	sadd.s32 $0x8F2B, s0  }
0x35: {  	[sflag:s0] =	ssyncadd.remote.s32 $0x1  }
0x36: {  	_ =	sfence.sel $0xFFFF  }
0x37: {  	[dreg:$0x0] =	wrdreg $0xFFFFFFFF;
	(pc) =	sbr.abs _section_cstart, $3  }
0x38: {  	[dreg:$0x1] =	wrdreg $0xFFFFFFFF  }
0x39: {  	_ =	task.clear_ibuf [dreg:s7], $0x2FFFF;
	_ =	strace $0x9FFFFFFF  }
0x3a: {  	(tm) =	ssettm $0x7FFFFFFF  }
0x3b: {  	_ =	shalt  }
tec
execute0_lowered:
.L_overlay_start_1:
0x0: {  	(tag) =	ssettag $0x1  }
0x1: {  	s0 =	srdreg.scid  }
0x2: {  	s1 =	sshll.u32 s0, $0x4  }
0x3: {  	s0 =	stileid.u32;
	s1 =	sand.u32 $0x10, s1  }
0x4: {  	s1 =	sor.u32 s0, s1  }
0x5: {  	s6 =	rddreg [dreg:$0x0];
	s4 =	simm.s32 $0x1;
	s2 =	sshll.u32 s1, $0x7  }
0x6: {  	s7 =	simm.s32 $0x2;
	s12 =	simm.s32 $0x0;
	s1 =	ssub.s32 $0x1000, s2  }
0x7: {  	s8 =	simm.s32 $0x8000;
	s13 =	simm.s32 $0x0;
	s3 =	sand.u32 $0xF80, s1  }
0x8: {  	s9 =	simm.s32 $0x0;
	s5 =	sshrl.u32 s1, $0xC;
	p0 =	sne.s32 s3, $0x0  }
.Ltmp0:
0x9: {  	s1 =	rddreg [dreg:$0x2];
	s4 =	simm.s32 @!p0 $0x0;
	(pc) =	sbr.rel .LBB1_1-.Ltmp0, $4  }
0xa: {  	s11 =	simm.s32 $0x0;
	s3 =	rddreg [dreg:$0x1];
	s5 =	sadd.s32 s4, s5  }
0xb: {  	_ =	strace $0x8000004A;
	s4 =	simm.s32 $0x1;
	s5 =	smul.u32 $0xC8, s5  }
0xc: {  	s6 =	sadd.s32 $0x800, s6;
	s10 =	smov.u32 s2;
	[sflag:s4] =	ssyncpa.u1 $0x0  }
0xd: {  	p0 =	por $0x0, $0x0;
	[sflag:s7] =	ssyncpa.u1 $0x0;
	s7 =	sor.u32 $0x1, s5  }
.LBB1_4:
0xe: {  	s16 =	sshll.u32 s13, $0x3;
	s17 =	sand.u32 $0x78, s13  }
0xf: {  	s30 =	sand.u32 $0x7E00, s13;
	s12 =	sshll.u32 s12, $0xF;
	s16 =	sand.u32 $0xC00, s16  }
0x10: {  	[tilespmem:s15+$0x810 ss:$0x81] =	vst.msk $0xffff, v2;
	s31 =	sand.u32 $0x7, s13;
	s16 =	sor.u32 s17, s16;
	s17 =	sadd.s32 s3, s30  }
0x11: {  	[tilespmem:s15+$0x1020 ss:$0x81] =	vst.msk $0xffff, v0;
	s13 =	sshll.u32 s31, $0x12;
	s12 =	sadd.s32 s12, s17;
	s16 =	sshrl.u32 s16, $0x3  }
0x12: {  	[tilespmem:s15+$0x0 ss:$0x81] =	vst.msk $0xffff, v1;
	s13 =	sor.u32 $0x400, s13;
	s12 =	sadd.s32 s16, s12  }
0x13: {  	[hbm4b:s12+s13] =	stream.strided.scatter [tilespmem:s14], [sflag:$0x2], $0x2000, s8, s13, $0x20;
	[tilespmem:$0x8080] =	vst v63  }
.LBB1_5:
0x14: {  	s14 =	sadd.s32 $0x1, s9  }
0x15: {  	s12 =	sadd.s32 $0x1000, s10;
	s16 =	smov.u32 s10;
	p2 =	sgt.s32 s14, $0xC7  }
0x16: {  	s16 =	smov.u32 @p2 s12  }
0x17: {  	s14 =	simm.s32 @p2 $0x0;
	p2 =	sgt.s32 s16, $0xFFF  }
0x18: {  	s16 =	smov.u32 @p2 s2;
	p2 =	sne.s32 s11, s7  }
.Ltmp1:
0x19: {  	p1 =	slt.u32 s11, $0x2;
	(pc) =	sbr.rel @!p2 .LBB1_6-.Ltmp1, $4  }
0x1a: {  	s15 =	simm.s32 @!p1 $0x2  }
0x1b: {  	s13 =	smov.u32 s10;
	p0 =	por !p0, !p0;
	_ =	swait.ge @!p1 [sflag:s15], $0x2000  }
0x1c: {  	s12 =	smov.u32 s9;
	[sflag:s15] =	ssyncset.done @!p1 $0x0;
	s9 =	smov.u32 s14  }
0x1d: {  	s11 =	sadd.s32 $0x1, s11;
	[sflag:s15] =	ssyncadd.s32 @!p1 $0xFFFFE000;
	s10 =	smov.u32 s16  }
.LBB1_1:
0x1e: {  	p1 =	sge.u32 s11, s5  }
0x1f: {  	s14 =	sand.u32 @!p1 $0x1FFFFFF, s9  }
0x20: {  	s15 =	smulhi.u32 @!p1 $0x147AE15, s14;
	_ =	sdelay $0x1  }
0x21: {  	s15 =	smul.u32 @!p1 $0xC8, s15  }
0x22: {  	s16 =	sxor.u32 @!p1 $0xFFFFFFFF, s11;
	s17 =	smul.u32 @!p1 $0xC80, s10  }
0x23: {  	s31 =	sadd.s32 $0xFFFFFFFF, s11;
	s16 =	sshll.u32 @!p1 s16, $0xD;
	s14 =	ssub.s32 @!p1 s14, s15  }
0x24: {  	s15 =	sand.u32 @!p1 $0x2000, s16;
	s16 =	sadd.s32 @!p1 s6, s17;
	s14 =	sshll.u32 @!p1 s14, $0x4  }
0x25: {  	s17 =	simm.s32 @!p1 $0x6400;
	s14 =	sadd.s32 @!p1 s14, s16;
	s16 =	simm.s32 @!p1 $0x40  }
0x26: {  	[tilespmem:s15], [sflag:$0x1] =	stream.strided.gather @!p1 [hbm4b:s14+s16], $0x2000, s17, s16, $0x38;
	[tilespmem:$0x8080] =	vst v63  }
0x27: {  	p1 =	sge.u32 s31, s5  }
.Ltmp2:
0x28: {  	_ = 	snop;
	(pc) =	sbr.rel @p1 .LBB1_5-.Ltmp2, $1  }
0x29: {  	_ =	sdelay $0x3  }
0x2a: {  	s14 =	simm.s32 $0x1  }
0x2b: {  	_ =	swait.ge [sflag:s4], $0x2000;
	s14 =	simm.s32 @!p0 $0x0  }
0x2c: {  	[sflag:s4] =	ssyncset.done $0x0;
	s15 =	sshll.u32 s14, $0xD  }
0x2d: {  	[sflag:s4] =	ssyncadd.s32 $0xFFFFE000;
	s18 =	sor.u32 $0x20, s15  }
0x2e: {  	s14 =	smul.u32 $0x8100, s14;
	v3 =	vld [tilespmem:s18+$0x10]  }
0x2f: {  	s30 =	sand.u32 $0x1, s11;
	v2 =	vld [tilespmem:s18+$0xFFFFFFF0]  }
0x30: {  	s15 =	smul.u32 $0x8100, s30;
	s14 =	sshrl.u32 s14, $0x2;
	v0 =	vld [tilespmem:s18+$0x0]  }
0x31: {  	v1 =	vld [tilespmem:s18+$0xFFFFFFE0];
	s16 =	sor.u32 $0x4000, s14  }
0x32: {  	s31 =	sshrl.u32 s15, $0x2;
	s15 =	sadd.s32 $0x0, s16  }
0x33: {  	s17 =	simm.s32 $0x4;
	s18 =	sadd.s32 $0x40, s18;
	s14 =	sor.u32 $0x4000, s31;
	[tilespmem:s15+$0x1830 ss:$0x81] =	vst.msk $0xffff, v3  }
.LBB1_3:
0x34: {  	v3 =	vld [tilespmem:s18+$0x10];
	p1 =	sne.s32 s17, $0x1FC;
	[tilespmem:s15+$0x810 ss:$0x81] =	vst.msk $0xffff, v2;
	s19 =	smov.u32 s17;
	s17 =	sadd.s32 $0x4, s17  }
.Ltmp3:
0x35: {  	v2 =	vld [tilespmem:s18+$0xFFFFFFF0];
	[tilespmem:s15+$0x1020 ss:$0x81] =	vst.msk $0xffff, v0;
	(pc) =	sbr.rel @p1 .LBB1_3-.Ltmp3, $4  }
0x36: {  	v0 =	vld [tilespmem:s18+$0x0];
	[tilespmem:s15+$0x0 ss:$0x81] =	vst.msk $0xffff, v1  }
0x37: {  	s15 =	sshra.s32 s19, $0x2;
	v1 =	vld [tilespmem:s18+$0xFFFFFFE0]  }
0x38: {  	s15 =	sadd.s32 s15, s16  }
0x39: {  	s18 =	sadd.s32 $0x40, s18;
	[tilespmem:s15+$0x1830 ss:$0x81] =	vst.msk $0xffff, v3  }
.Ltmp4:
0x3a: {  	_ = 	snop;
	(pc) =	sbr.rel .LBB1_4-.Ltmp4, $1  }
0x3b: {  	_ =	sdelay $0x3  }
.LBB1_6:
0x3c: {  	_ =	sfence.sel $0x180000  }
0x3d: {  	s2 =	simm.s32 $0x1;
	[bflag:$0x0] =	sbarrier.arrive $0xFFFF  }
0x3e: {  	s31 =	simm.s32 $0x2;
	[sflag:s2] =	ssyncpa.u1 $0x1  }
0x3f: {  	[sflag:s31] =	ssyncpa.u1 $0x1  }
0x40: {  	p0 =	sne.s32 s0, $0x0;
	_ =	strace $0x9000004A  }
0x41: {  	s0 =	sadd.s32 @!p0 $0x100000, s1;
	[bflag:$0x2] =	sbarrier.arrive $0xFFFF  }
0x42: {  	[sflag:s0] =	ssyncadd.tile.s32 @!p0 $0x1;
	_ =	shalt  }
.Lfunc_end1:
_tile_overlayer_lowered:
.L_overlay_start_2:
0x43: {  	(tag) =	ssettag $0x2  }
0x44: {  	s0 =	rddreg [dreg:$0x0];
	s2 =	stileid.u32  }
0x45: {  	s1 =	rddreg [dreg:$0x1];
	p0 =	sne.s32 s2, $0x0  }
0x46: {  	s3 =	rddreg [dreg:$0x2];
	[bflag:$0x3] =	sbarrier.arrive $0xFFFF;
	s2 =	simm.s32 @!p0 $0x1C01  }
0x47: {  	[timem:s3], [sflag:s2] =	dma.local @!p0 [hbm:s0], s1  }
0x48: {  	s0 =	simm.s32 @!p0 $0x1  }
0x49: {  	_ =	swait.ge @!p0 [sflag:s0], s1  }
0x4a: {  	s1 =	ssub.s32 @!p0 $0x0, s1;
	[sflag:s0] =	ssyncset.done @!p0 $0x0  }
0x4b: {  	[sflag:s0] =	ssyncadd.s32 @!p0 s1  }
0x4c: {  	[bflag:$0x3] =	sbarrier.arrive $0xFFFF  }
0x4d: {  	_ =	shalt  }

</sc_bundles>
